<compile_context>
chip_gen: v7x
topology: tpu7x:2x2x1
jax: 0.10.2.dev20260603
libtpu: 0.0.44.dev20260713+nightly
codegen_flags: <defaults>
</compile_context>

<pallas_src>
import functools

import jax
import jax.numpy as jnp
from jax import lax
from jax.experimental import pallas as pl
from jax.experimental.pallas import tpu as pltpu
from jax.experimental.pallas import tpu_sc as plsc


def _routing(topk_ids, topk_weights, E, BLK_M):
    T = topk_ids.shape[0]
    NB = T // BLK_M
    P = NB + E
    eid = topk_ids[:, 0].astype(jnp.int32)
    C = 16
    L = T // C
    oh = (eid[:, None] == jnp.arange(E, dtype=jnp.int32)[None, :]).astype(
        jnp.float32
    )
    oh3 = oh.reshape(C, L, E)
    tril = jnp.tril(jnp.ones((L, L), jnp.float32))
    local = jnp.matmul(tril, oh3)
    chunk_tot = oh3.sum(axis=1)
    offs = jnp.cumsum(chunk_tot, axis=0) - chunk_tot
    cum = local + offs[:, None, :]
    counts = chunk_tot.sum(axis=0).astype(jnp.int32)
    ranks = (cum * oh3).sum(axis=-1).reshape(T).astype(jnp.int32) - 1
    tok_end = jnp.cumsum(counts)
    tok_start = tok_end - counts
    base = (oh * tok_start[None, :].astype(jnp.float32)).sum(-1).astype(
        jnp.int32
    )
    pos = base + ranks

    rs = jnp.arange(NB, dtype=jnp.int32) * BLK_M
    ovl = (jnp.minimum(tok_end[None, :], (rs + BLK_M)[:, None])
           - jnp.maximum(tok_start[None, :], rs[:, None]))
    flat = (ovl > 0).reshape(-1)
    dest = jnp.cumsum(flat.astype(jnp.int32)) - 1
    npairs = flat.astype(jnp.int32).sum()
    pr = jnp.arange(P, dtype=jnp.int32)
    pair_oh = ((dest[:, None] == pr[None, :]) & flat[:, None]).astype(
        jnp.float32
    )
    fi = jnp.arange(NB * E, dtype=jnp.int32)
    bev = jnp.stack([(fi // E).astype(jnp.float32),
                     (fi % E).astype(jnp.float32)], axis=1)
    res = jnp.einsum("fp,fc->pc", pair_oh, bev)
    gb_r = res[:, 0].astype(jnp.int32)
    ge_r = res[:, 1].astype(jnp.int32)
    ge_last = jnp.max(jnp.where(flat, fi % E, -1))
    unused = pr >= npairs
    gb = jnp.where(unused, NB - 1, gb_r).astype(jnp.int32)
    ge = jnp.where(unused, ge_last, ge_r).astype(jnp.int32)
    first = jnp.concatenate(
        [jnp.ones((1,), jnp.int32), (gb[1:] != gb[:-1]).astype(jnp.int32)]
    )
    active = (~unused).astype(jnp.int32)
    rowidx = gb[:, None] * BLK_M + jnp.arange(BLK_M, dtype=jnp.int32)[None, :]
    seg = ((rowidx >= tok_start[ge][:, None]) & (rowidx < tok_end[ge][:, None])
           & ~unused[:, None]).astype(jnp.float32)
    return pos, gb, ge, first, active, seg


def _mm_body(gb_ref, ge_ref, first_ref, act_ref, xs_ref, *rest):
    ws, seg_ref, ys_ref = rest[:-2], rest[-2], rest[-1]
    p = pl.program_id(0)

    @pl.when(act_ref[p] == 1)
    def _active():
        acc = None
        koff = 0
        for wj in ws:
            kj = wj.shape[-2]
            part = jnp.dot(xs_ref[:, koff:koff + kj], wj[0, 0],
                           preferred_element_type=jnp.float32)
            acc = part if acc is None else acc + part
            koff += kj
        wcol = xs_ref[:, koff:koff + 1]
        contrib = acc * (wcol * seg_ref[0])

        @pl.when(first_ref[p] == 1)
        def _init():
            ys_ref[...] = contrib

        @pl.when(first_ref[p] == 0)
        def _accum():
            ys_ref[...] += contrib


def kernel(x, topk_weights, topk_ids, W1):
    T, K = x.shape
    E, _, N = W1.shape
    BLK_M = 128
    NB = T // BLK_M
    P = NB + E

    pos, gb, ge, first, active, seg = _routing(topk_ids, topk_weights, E,
                                               BLK_M)
    wtok = jnp.broadcast_to(
        topk_weights.astype(jnp.float32), (T, 128)
    )

    info = plsc.get_sparse_core_info()
    NC, NS = info.num_cores, info.num_subcores
    NW = NC * NS
    CH = T // NW
    Kp = K + 128
    mesh = plsc.VectorSubcoreMesh(core_axis_name="c", subcore_axis_name="s")

    @functools.partial(
        pl.kernel,
        out_type=jax.ShapeDtypeStruct((T, Kp), jnp.float32),
        mesh=mesh,
        scratch_types=[
            pltpu.VMEM((CH,), jnp.int32),
            pltpu.VMEM((CH, Kp), jnp.float32),
            pltpu.SemaphoreType.DMA,
        ],
    )
    def dispatch(x_hbm, w_hbm, pos_hbm, xs_hbm, idx_v, rows_v, sem):
        wid = lax.axis_index("s") * NC + lax.axis_index("c")
        base = wid * CH
        pltpu.sync_copy(pos_hbm.at[pl.ds(base, CH)], idx_v)
        pltpu.sync_copy(x_hbm.at[pl.ds(base, CH)], rows_v.at[:, pl.ds(0, K)])
        pltpu.sync_copy(w_hbm.at[pl.ds(base, CH)],
                        rows_v.at[:, pl.ds(K, 128)])
        pltpu.async_copy(rows_v, xs_hbm.at[idx_v], sem).wait()

    @functools.partial(
        pl.kernel,
        out_type=jax.ShapeDtypeStruct((T, N), jnp.float32),
        mesh=mesh,
        scratch_types=[
            pltpu.VMEM((CH,), jnp.int32),
            pltpu.VMEM((CH, N), jnp.float32),
            pltpu.SemaphoreType.DMA,
        ],
    )
    def combine(ys_hbm, pos_hbm, out_hbm, idx_v, rows_v, sem):
        wid = lax.axis_index("s") * NC + lax.axis_index("c")
        base = wid * CH
        pltpu.sync_copy(pos_hbm.at[pl.ds(base, CH)], idx_v)
        pltpu.async_copy(ys_hbm.at[idx_v], rows_v, sem).wait()
        pltpu.sync_copy(rows_v, out_hbm.at[pl.ds(base, CH)])

    xs = dispatch(x, wtok, pos)

    S = 2
    KS_ = K // S
    W1r = W1.reshape(E, S, KS_, N)

    def _w_spec(j):
        return pl.BlockSpec(
            (1, 1, KS_, N), lambda p, gb, ge, fr, ac, j=j: (ge[p], j, 0, 0)
        )

    grid_spec = pltpu.PrefetchScalarGridSpec(
        num_scalar_prefetch=4,
        grid=(P,),
        in_specs=[
            pl.BlockSpec((BLK_M, Kp), lambda p, gb, ge, fr, ac: (gb[p], 0)),
            *[_w_spec(j) for j in range(S)],
            pl.BlockSpec((1, BLK_M, 1), lambda p, gb, ge, fr, ac: (p, 0, 0)),
        ],
        out_specs=pl.BlockSpec((BLK_M, N),
                               lambda p, gb, ge, fr, ac: (gb[p], 0)),
    )
    ys = pl.pallas_call(
        _mm_body,
        grid_spec=grid_spec,
        out_shape=jax.ShapeDtypeStruct((T, N), jnp.float32),
        compiler_params=pltpu.CompilerParams(
            dimension_semantics=("arbitrary",),
        ),
    )(gb, ge, first, active, xs, *([W1r] * S), seg.reshape(P, BLK_M, 1))

    return combine(ys, pos)

# --- scband reference (transcript-rebuilt; emitter-appended) ---
"""Pipeline reference for scband-fused-mo-elinear-13400297963952 (READ-ONLY COPY).

The authoritative reference and input builder live on the scoring server;
editing this copy changes nothing except your own understanding.
"""

import jax, jax.numpy as jnp
import numpy as np

E = 64
TOPK = 1
T = 2048
K = 1024  # hidden_dim
N = 1024  # inter_dim


def setup_inputs(seed: int = 0) -> dict:
    key = jax.random.key(seed)
    k1, k2, k3, k4 = jax.random.split(key, 4)
    x = jax.random.normal(k1, (T, K), dtype=jnp.float32)
    topk_weights = jax.random.uniform(k2, (T, TOPK), dtype=jnp.float32)
    topk_ids = jax.random.randint(k3, (T, TOPK), 0, E)
    # Expert weight tensor W1: (E, K, N), fp16-mode path (no quantization)
    W1 = jax.random.normal(k4, (E, K, N), dtype=jnp.float32) * 0.02
    return {"x": x, "topk_weights": topk_weights, "topk_ids": topk_ids, "W1": W1}


def reference(x, topk_weights, topk_ids, W1):
    # Faithful to _moe_kernel_fp16: for each (token, expert) pair p:
    #   out[token] += topk_weight[p] * (x[token] @ W1[expert])
    # The torch code sorts pairs by weight before launching; the sort does not
    # change the accumulated result (atomic_add is order-independent), so we
    # accumulate directly.
    T_, K_ = x.shape
    E_, _, N_ = W1.shape
    topk = topk_ids.shape[1]
    # sorted_token_ids construction: token indices expanded over top_k
    flat_tok = jnp.repeat(jnp.arange(T_), topk)
    flat_eid = topk_ids.reshape(-1)
    flat_w = topk_weights.reshape(-1)
    xg = x[flat_tok]                      # gather routed tokens (static indices)
    out = jnp.zeros((T_, N_), dtype=jnp.float32)

    def body(e, out):
        mask = (flat_eid == e).astype(jnp.float32)
        ye = xg @ W1[e]                   # per-expert projection
        ye = ye * (flat_w * mask)[:, None]  # scale by routing weight (0 if not routed)
        return out.at[flat_tok].add(ye)   # scatter-add back by token id

    out = jax.lax.fori_loop(0, E_, body, out)
    return out

if __name__ == "__main__":
    import jax
    _d = setup_inputs()
    print(jax.jit(kernel)(*tuple(_d.values())))

</pallas_src>

<mosaic_0001>
#map = affine_map<(d0, d1) -> (0, 0)>
#map1 = affine_map<(d0, d1) -> (0)>
module attributes {stable_mosaic.version = 14 : i64} {
  func.func @combine(%arg0: i32, %arg1: i32, %arg2: memref<2048x1024xf32, #tpu.memory_space<hbm>>, %arg3: memref<2048xi32, #tpu.memory_space<hbm>>, %arg4: memref<2048x1024xf32, #tpu.memory_space<hbm>>, %arg5: memref<64xi32, #tpu.memory_space<vmem>>, %arg6: memref<64x1024xf32, #tpu.memory_space<vmem>>, %arg7: memref<!tpu.dma_semaphore, #tpu.memory_space<semaphore_mem>>) attributes {dimension_semantics = [#tpu.dimension_semantics<core_parallel>, #tpu.dimension_semantics<subcore_parallel>], iteration_bounds = array<i64: 2, 16>, scalar_prefetch = 0 : i64, scratch_operands = 3 : i64, tpu.core_type = #tpu.core_type<sc_vector_subcore>, window_params = [{transform_indices = #map}, {transform_indices = #map1}, {transform_indices = #map}]} {
    %mul3A = arith.constant 2 : i32
    %mul3A_0 = arith.muli %arg1, %mul3A : i32
    %add3A = arith.addi %mul3A_0, %arg0 : i32
    %mul3A_1 = arith.constant 64 : i32
    %mul3A_2 = arith.muli %add3A, %mul3A_1 : i32
    "tpu.region"() ({
      %run_scoped3A = tpu.sem_alloc : memref<!tpu.dma_semaphore, #tpu.memory_space<semaphore_mem>>
      %dma_start3A_7 = tpu.memref_slice %arg3[%mul3A_2] : memref<2048xi32, #tpu.memory_space<hbm>> -> memref<64xi32, #tpu.memory_space<hbm>>
      %dma_start3A_8 = tpu.memref_slice %arg3[%mul3A_2] : memref<2048xi32, #tpu.memory_space<hbm>> -> memref<64xi32, #tpu.memory_space<hbm>>
      tpu.enqueue_dma source(%dma_start3A_8 : memref<64xi32, #tpu.memory_space<hbm>>) target(%arg5 : memref<64xi32, #tpu.memory_space<vmem>>) target_semaphore(%run_scoped3A : memref<!tpu.dma_semaphore, #tpu.memory_space<semaphore_mem>>)
      %dma_wait3A_9 = tpu.memref_slice %arg3[%mul3A_2] : memref<2048xi32, #tpu.memory_space<hbm>> -> memref<64xi32, #tpu.memory_space<hbm>>
      %dma_wait3A_10 = tpu.memref_slice %arg3[%mul3A_2] : memref<2048xi32, #tpu.memory_space<hbm>> -> memref<64xi32, #tpu.memory_space<hbm>>
      tpu.wait_dma2 semaphore(%run_scoped3A : memref<!tpu.dma_semaphore, #tpu.memory_space<semaphore_mem>>) src(%dma_wait3A_10 : memref<64xi32, #tpu.memory_space<hbm>>) dst(%arg5 : memref<64xi32, #tpu.memory_space<vmem>>)
      tpu.yield
    }) : () -> ()
    %dma_start3A = arith.constant 0 : i32
    %dma_start3A_3 = arith.constant 0 : i32
    %dma_start3A_4 = tpu.memref_slice %arg2[%dma_start3A, %dma_start3A_3] : memref<2048x1024xf32, #tpu.memory_space<hbm>> -> memref<2048x1024xf32, #tpu.memory_space<hbm>>
    tpu.enqueue_indirect_dma source(%dma_start3A_4 : memref<2048x1024xf32, #tpu.memory_space<hbm>>) target(%arg6 : memref<64x1024xf32, #tpu.memory_space<vmem>>) offsets(%arg5 : memref<64xi32, #tpu.memory_space<vmem>>) semaphore(%arg7 : memref<!tpu.dma_semaphore, #tpu.memory_space<semaphore_mem>>)
    %dma_wait3A = arith.constant 0 : i32
    %dma_wait3A_5 = arith.constant 0 : i32
    %dma_wait3A_6 = tpu.memref_slice %arg2[%dma_wait3A, %dma_wait3A_5] : memref<2048x1024xf32, #tpu.memory_space<hbm>> -> memref<2048x1024xf32, #tpu.memory_space<hbm>>
    tpu.wait_indirect_dma semaphore(%arg7 : memref<!tpu.dma_semaphore, #tpu.memory_space<semaphore_mem>>) src(%dma_wait3A_6 : memref<2048x1024xf32, #tpu.memory_space<hbm>>) dst(%arg6 : memref<64x1024xf32, #tpu.memory_space<vmem>>)
    "tpu.region"() ({
      %run_scoped3A = tpu.sem_alloc : memref<!tpu.dma_semaphore, #tpu.memory_space<semaphore_mem>>
      %dma_start3A_7 = arith.constant 0 : i32
      %dma_start3A_8 = tpu.memref_slice %arg4[%mul3A_2, %dma_start3A_7] : memref<2048x1024xf32, #tpu.memory_space<hbm>> -> memref<64x1024xf32, #tpu.memory_space<hbm>>
      %dma_start3A_9 = arith.constant 0 : i32
      %dma_start3A_10 = tpu.memref_slice %arg4[%mul3A_2, %dma_start3A_9] : memref<2048x1024xf32, #tpu.memory_space<hbm>> -> memref<64x1024xf32, #tpu.memory_space<hbm>>
      tpu.enqueue_dma source(%arg6 : memref<64x1024xf32, #tpu.memory_space<vmem>>) target(%dma_start3A_10 : memref<64x1024xf32, #tpu.memory_space<hbm>>) target_semaphore(%run_scoped3A : memref<!tpu.dma_semaphore, #tpu.memory_space<semaphore_mem>>)
      %dma_wait3A_11 = arith.constant 0 : i32
      %dma_wait3A_12 = tpu.memref_slice %arg4[%mul3A_2, %dma_wait3A_11] : memref<2048x1024xf32, #tpu.memory_space<hbm>> -> memref<64x1024xf32, #tpu.memory_space<hbm>>
      %dma_wait3A_13 = arith.constant 0 : i32
      %dma_wait3A_14 = tpu.memref_slice %arg4[%mul3A_2, %dma_wait3A_13] : memref<2048x1024xf32, #tpu.memory_space<hbm>> -> memref<64x1024xf32, #tpu.memory_space<hbm>>
      tpu.wait_dma2 semaphore(%run_scoped3A : memref<!tpu.dma_semaphore, #tpu.memory_space<semaphore_mem>>) src(%arg6 : memref<64x1024xf32, #tpu.memory_space<vmem>>) dst(%dma_wait3A_14 : memref<64x1024xf32, #tpu.memory_space<hbm>>)
      tpu.yield
    }) : () -> ()
    return
  }
}

#map = affine_map<(d0, d1) -> (0, 0)>
#map1 = affine_map<(d0, d1) -> (0)>
module attributes {stable_mosaic.version = 14 : i64} {
  func.func @dispatch(%arg0: i32, %arg1: i32, %arg2: memref<2048x1024xf32, #tpu.memory_space<hbm>>, %arg3: memref<2048x128xf32, #tpu.memory_space<hbm>>, %arg4: memref<2048xi32, #tpu.memory_space<hbm>>, %arg5: memref<2048x1152xf32, #tpu.memory_space<hbm>>, %arg6: memref<64xi32, #tpu.memory_space<vmem>>, %arg7: memref<64x1152xf32, #tpu.memory_space<vmem>>, %arg8: memref<!tpu.dma_semaphore, #tpu.memory_space<semaphore_mem>>) attributes {dimension_semantics = [#tpu.dimension_semantics<core_parallel>, #tpu.dimension_semantics<subcore_parallel>], iteration_bounds = array<i64: 2, 16>, scalar_prefetch = 0 : i64, scratch_operands = 3 : i64, tpu.core_type = #tpu.core_type<sc_vector_subcore>, window_params = [{transform_indices = #map}, {transform_indices = #map}, {transform_indices = #map1}, {transform_indices = #map}]} {
    %mul3A = arith.constant 2 : i32
    %mul3A_0 = arith.muli %arg1, %mul3A : i32
    %add3A = arith.addi %mul3A_0, %arg0 : i32
    %mul3A_1 = arith.constant 64 : i32
    %mul3A_2 = arith.muli %add3A, %mul3A_1 : i32
    "tpu.region"() ({
      %run_scoped3A = tpu.sem_alloc : memref<!tpu.dma_semaphore, #tpu.memory_space<semaphore_mem>>
      %dma_start3A_7 = tpu.memref_slice %arg4[%mul3A_2] : memref<2048xi32, #tpu.memory_space<hbm>> -> memref<64xi32, #tpu.memory_space<hbm>>
      %dma_start3A_8 = tpu.memref_slice %arg4[%mul3A_2] : memref<2048xi32, #tpu.memory_space<hbm>> -> memref<64xi32, #tpu.memory_space<hbm>>
      tpu.enqueue_dma source(%dma_start3A_8 : memref<64xi32, #tpu.memory_space<hbm>>) target(%arg6 : memref<64xi32, #tpu.memory_space<vmem>>) target_semaphore(%run_scoped3A : memref<!tpu.dma_semaphore, #tpu.memory_space<semaphore_mem>>)
      %dma_wait3A_9 = tpu.memref_slice %arg4[%mul3A_2] : memref<2048xi32, #tpu.memory_space<hbm>> -> memref<64xi32, #tpu.memory_space<hbm>>
      %dma_wait3A_10 = tpu.memref_slice %arg4[%mul3A_2] : memref<2048xi32, #tpu.memory_space<hbm>> -> memref<64xi32, #tpu.memory_space<hbm>>
      tpu.wait_dma2 semaphore(%run_scoped3A : memref<!tpu.dma_semaphore, #tpu.memory_space<semaphore_mem>>) src(%dma_wait3A_10 : memref<64xi32, #tpu.memory_space<hbm>>) dst(%arg6 : memref<64xi32, #tpu.memory_space<vmem>>)
      tpu.yield
    }) : () -> ()
    "tpu.region"() ({
      %run_scoped3A = tpu.sem_alloc : memref<!tpu.dma_semaphore, #tpu.memory_space<semaphore_mem>>
      %dma_start3A_7 = arith.constant 0 : i32
      %dma_start3A_8 = arith.constant 0 : i32
      %dma_start3A_9 = tpu.memref_slice %arg7[%dma_start3A_7, %dma_start3A_8] : memref<64x1152xf32, #tpu.memory_space<vmem>> -> memref<64x1024xf32, #tpu.memory_space<vmem>>
      %dma_start3A_10 = arith.constant 0 : i32
      %dma_start3A_11 = tpu.memref_slice %arg2[%mul3A_2, %dma_start3A_10] : memref<2048x1024xf32, #tpu.memory_space<hbm>> -> memref<64x1024xf32, #tpu.memory_space<hbm>>
      %dma_start3A_12 = arith.constant 0 : i32
      %dma_start3A_13 = arith.constant 0 : i32
      %dma_start3A_14 = tpu.memref_slice %arg7[%dma_start3A_12, %dma_start3A_13] : memref<64x1152xf32, #tpu.memory_space<vmem>> -> memref<64x1024xf32, #tpu.memory_space<vmem>>
      %dma_start3A_15 = arith.constant 0 : i32
      %dma_start3A_16 = tpu.memref_slice %arg2[%mul3A_2, %dma_start3A_15] : memref<2048x1024xf32, #tpu.memory_space<hbm>> -> memref<64x1024xf32, #tpu.memory_space<hbm>>
      tpu.enqueue_dma source(%dma_start3A_16 : memref<64x1024xf32, #tpu.memory_space<hbm>>) target(%dma_start3A_14 : memref<64x1024xf32, #tpu.memory_space<vmem>>) target_semaphore(%run_scoped3A : memref<!tpu.dma_semaphore, #tpu.memory_space<semaphore_mem>>)
      %dma_wait3A_17 = arith.constant 0 : i32
      %dma_wait3A_18 = arith.constant 0 : i32
      %dma_wait3A_19 = tpu.memref_slice %arg7[%dma_wait3A_17, %dma_wait3A_18] : memref<64x1152xf32, #tpu.memory_space<vmem>> -> memref<64x1024xf32, #tpu.memory_space<vmem>>
      %dma_wait3A_20 = arith.constant 0 : i32
      %dma_wait3A_21 = tpu.memref_slice %arg2[%mul3A_2, %dma_wait3A_20] : memref<2048x1024xf32, #tpu.memory_space<hbm>> -> memref<64x1024xf32, #tpu.memory_space<hbm>>
      %dma_wait3A_22 = arith.constant 0 : i32
      %dma_wait3A_23 = arith.constant 0 : i32
      %dma_wait3A_24 = tpu.memref_slice %arg7[%dma_wait3A_22, %dma_wait3A_23] : memref<64x1152xf32, #tpu.memory_space<vmem>> -> memref<64x1024xf32, #tpu.memory_space<vmem>>
      %dma_wait3A_25 = arith.constant 0 : i32
      %dma_wait3A_26 = tpu.memref_slice %arg2[%mul3A_2, %dma_wait3A_25] : memref<2048x1024xf32, #tpu.memory_space<hbm>> -> memref<64x1024xf32, #tpu.memory_space<hbm>>
      tpu.wait_dma2 semaphore(%run_scoped3A : memref<!tpu.dma_semaphore, #tpu.memory_space<semaphore_mem>>) src(%dma_wait3A_26 : memref<64x1024xf32, #tpu.memory_space<hbm>>) dst(%dma_wait3A_24 : memref<64x1024xf32, #tpu.memory_space<vmem>>)
      tpu.yield
    }) : () -> ()
    "tpu.region"() ({
      %run_scoped3A = tpu.sem_alloc : memref<!tpu.dma_semaphore, #tpu.memory_space<semaphore_mem>>
      %dma_start3A_7 = arith.constant 0 : i32
      %dma_start3A_8 = arith.constant 1024 : i32
      %dma_start3A_9 = tpu.memref_slice %arg7[%dma_start3A_7, %dma_start3A_8] : memref<64x1152xf32, #tpu.memory_space<vmem>> -> memref<64x128xf32, #tpu.memory_space<vmem>>
      %dma_start3A_10 = arith.constant 0 : i32
      %dma_start3A_11 = tpu.memref_slice %arg3[%mul3A_2, %dma_start3A_10] : memref<2048x128xf32, #tpu.memory_space<hbm>> -> memref<64x128xf32, #tpu.memory_space<hbm>>
      %dma_start3A_12 = arith.constant 0 : i32
      %dma_start3A_13 = arith.constant 1024 : i32
      %dma_start3A_14 = tpu.memref_slice %arg7[%dma_start3A_12, %dma_start3A_13] : memref<64x1152xf32, #tpu.memory_space<vmem>> -> memref<64x128xf32, #tpu.memory_space<vmem>>
      %dma_start3A_15 = arith.constant 0 : i32
      %dma_start3A_16 = tpu.memref_slice %arg3[%mul3A_2, %dma_start3A_15] : memref<2048x128xf32, #tpu.memory_space<hbm>> -> memref<64x128xf32, #tpu.memory_space<hbm>>
      tpu.enqueue_dma source(%dma_start3A_16 : memref<64x128xf32, #tpu.memory_space<hbm>>) target(%dma_start3A_14 : memref<64x128xf32, #tpu.memory_space<vmem>>) target_semaphore(%run_scoped3A : memref<!tpu.dma_semaphore, #tpu.memory_space<semaphore_mem>>)
      %dma_wait3A_17 = arith.constant 0 : i32
      %dma_wait3A_18 = arith.constant 1024 : i32
      %dma_wait3A_19 = tpu.memref_slice %arg7[%dma_wait3A_17, %dma_wait3A_18] : memref<64x1152xf32, #tpu.memory_space<vmem>> -> memref<64x128xf32, #tpu.memory_space<vmem>>
      %dma_wait3A_20 = arith.constant 0 : i32
      %dma_wait3A_21 = tpu.memref_slice %arg3[%mul3A_2, %dma_wait3A_20] : memref<2048x128xf32, #tpu.memory_space<hbm>> -> memref<64x128xf32, #tpu.memory_space<hbm>>
      %dma_wait3A_22 = arith.constant 0 : i32
      %dma_wait3A_23 = arith.constant 1024 : i32
      %dma_wait3A_24 = tpu.memref_slice %arg7[%dma_wait3A_22, %dma_wait3A_23] : memref<64x1152xf32, #tpu.memory_space<vmem>> -> memref<64x128xf32, #tpu.memory_space<vmem>>
      %dma_wait3A_25 = arith.constant 0 : i32
      %dma_wait3A_26 = tpu.memref_slice %arg3[%mul3A_2, %dma_wait3A_25] : memref<2048x128xf32, #tpu.memory_space<hbm>> -> memref<64x128xf32, #tpu.memory_space<hbm>>
      tpu.wait_dma2 semaphore(%run_scoped3A : memref<!tpu.dma_semaphore, #tpu.memory_space<semaphore_mem>>) src(%dma_wait3A_26 : memref<64x128xf32, #tpu.memory_space<hbm>>) dst(%dma_wait3A_24 : memref<64x128xf32, #tpu.memory_space<vmem>>)
      tpu.yield
    }) : () -> ()
    %dma_start3A = arith.constant 0 : i32
    %dma_start3A_3 = arith.constant 0 : i32
    %dma_start3A_4 = tpu.memref_slice %arg5[%dma_start3A, %dma_start3A_3] : memref<2048x1152xf32, #tpu.memory_space<hbm>> -> memref<2048x1152xf32, #tpu.memory_space<hbm>>
    tpu.enqueue_indirect_dma source(%arg7 : memref<64x1152xf32, #tpu.memory_space<vmem>>) target(%dma_start3A_4 : memref<2048x1152xf32, #tpu.memory_space<hbm>>) offsets(%arg6 : memref<64xi32, #tpu.memory_space<vmem>>) semaphore(%arg8 : memref<!tpu.dma_semaphore, #tpu.memory_space<semaphore_mem>>)
    %dma_wait3A = arith.constant 0 : i32
    %dma_wait3A_5 = arith.constant 0 : i32
    %dma_wait3A_6 = tpu.memref_slice %arg5[%dma_wait3A, %dma_wait3A_5] : memref<2048x1152xf32, #tpu.memory_space<hbm>> -> memref<2048x1152xf32, #tpu.memory_space<hbm>>
    tpu.wait_indirect_dma semaphore(%arg8 : memref<!tpu.dma_semaphore, #tpu.memory_space<semaphore_mem>>) src(%arg7 : memref<64x1152xf32, #tpu.memory_space<vmem>>) dst(%dma_wait3A_6 : memref<2048x1152xf32, #tpu.memory_space<hbm>>)
    return
  }
}

module attributes {stable_mosaic.version = 14 : i64} {
  func.func @_mm_body(%arg0: i32, %arg1: memref<80xi32, #tpu.memory_space<smem>>, %arg2: memref<80xi32, #tpu.memory_space<smem>>, %arg3: memref<80xi32, #tpu.memory_space<smem>>, %arg4: memref<80xi32, #tpu.memory_space<smem>>, %arg5: memref<128x1152xf32, #tpu.memory_space<vmem>>, %arg6: memref<1x1x512x1024xf32, #tpu.memory_space<vmem>>, %arg7: memref<1x1x512x1024xf32, #tpu.memory_space<vmem>>, %arg8: memref<1x128x1xf32, #tpu.memory_space<vmem>>, %arg9: memref<128x1024xf32, #tpu.memory_space<vmem>>) attributes {dimension_semantics = [#tpu.dimension_semantics<arbitrary>], iteration_bounds = array<i64: 80>, scalar_prefetch = 4 : i64, scratch_operands = 0 : i64, tpu.core_type = #tpu.core_type<tc>, window_params = [{transform_indices = @transform_0, window_bounds = array<i64: 128, 1152>}, {transform_indices = @transform_1, window_bounds = array<i64: 1, 1, 512, 1024>}, {transform_indices = @transform_2, window_bounds = array<i64: 1, 1, 512, 1024>}, {transform_indices = @transform_3, window_bounds = array<i64: 1, 128, 1>}, {transform_indices = @transform_4, window_bounds = array<i64: 128, 1024>}]} {
    %get3A = arith.index_cast %arg0 : i32 to index
    %get3A_0 = memref.load %arg4[%get3A] : memref<80xi32, #tpu.memory_space<smem>>
    %eq3A = arith.constant 1 : i32
    %eq3A_1 = arith.cmpi eq, %get3A_0, %eq3A : i32
    %convert_element_type3A = arith.extui %eq3A_1 : i1 to i32
    %cond3A = arith.constant 0 : i32
    %cond3A_2 = arith.cmpi ne, %convert_element_type3A, %cond3A : i32
    scf.if %cond3A_2 {
      %get3A_3 = arith.constant 0 : index
      %get3A_4 = arith.constant 0 : index
      %get3A_5 = vector.load %arg5[%get3A_3, %get3A_4] : memref<128x1152xf32, #tpu.memory_space<vmem>>, vector<128x512xf32>
      %get3A_6 = arith.constant 0 : index
      %get3A_7 = arith.constant 0 : index
      %get3A_8 = arith.constant 0 : index
      %get3A_9 = arith.constant 0 : index
      %get3A_10 = vector.load %arg6[%get3A_6, %get3A_7, %get3A_8, %get3A_9] : memref<1x1x512x1024xf32, #tpu.memory_space<vmem>>, vector<1x1x512x1024xf32>
      %get3A_11 = vector.shape_cast %get3A_10 : vector<1x1x512x1024xf32> to vector<512x1024xf32>
      %dot_general3A = arith.constant dense<0.000000e+00> : vector<128x1024xf32>
      %dot_general3A_12 = tpu.matmul %get3A_5, %get3A_11, %dot_general3A {dimension_numbers = #tpu.dot_dimension_numbers<[1], [0], [0], [1], [0, 0, 1, 1], [], []>, transpose_lhs_hint = false} : vector<128x512xf32>, vector<512x1024xf32>, vector<128x1024xf32> -> vector<128x1024xf32>
      %get3A_13 = arith.constant 0 : index
      %get3A_14 = arith.constant 512 : index
      %get3A_15 = vector.load %arg5[%get3A_13, %get3A_14] : memref<128x1152xf32, #tpu.memory_space<vmem>>, vector<128x512xf32>
      %get3A_16 = arith.constant 0 : index
      %get3A_17 = arith.constant 0 : index
      %get3A_18 = arith.constant 0 : index
      %get3A_19 = arith.constant 0 : index
      %get3A_20 = vector.load %arg7[%get3A_16, %get3A_17, %get3A_18, %get3A_19] : memref<1x1x512x1024xf32, #tpu.memory_space<vmem>>, vector<1x1x512x1024xf32>
      %get3A_21 = vector.shape_cast %get3A_20 : vector<1x1x512x1024xf32> to vector<512x1024xf32>
      %dot_general3A_22 = arith.constant dense<0.000000e+00> : vector<128x1024xf32>
      %dot_general3A_23 = tpu.matmul %get3A_15, %get3A_21, %dot_general3A_22 {dimension_numbers = #tpu.dot_dimension_numbers<[1], [0], [0], [1], [0, 0, 1, 1], [], []>, transpose_lhs_hint = false} : vector<128x512xf32>, vector<512x1024xf32>, vector<128x1024xf32> -> vector<128x1024xf32>
      %add3A = arith.addf %dot_general3A_12, %dot_general3A_23 : vector<128x1024xf32>
      %get3A_24 = arith.constant 0 : index
      %get3A_25 = arith.constant 1024 : index
      %get3A_26 = vector.load %arg5[%get3A_24, %get3A_25] : memref<128x1152xf32, #tpu.memory_space<vmem>>, vector<128x1xf32>
      %get3A_27 = arith.constant 0 : index
      %get3A_28 = arith.constant 0 : index
      %get3A_29 = arith.constant 0 : index
      %get3A_30 = vector.load %arg8[%get3A_27, %get3A_28, %get3A_29] : memref<1x128x1xf32, #tpu.memory_space<vmem>>, vector<1x128x1xf32>
      %get3A_31 = vector.shape_cast %get3A_30 : vector<1x128x1xf32> to vector<128x1xf32>
      %mul3A = arith.mulf %get3A_26, %get3A_31 : vector<128x1xf32>
      %mul3A_32 = vector.broadcast %mul3A : vector<128x1xf32> to vector<128x1024xf32>
      %mul3A_33 = arith.mulf %add3A, %mul3A_32 : vector<128x1024xf32>
      %get3A_34 = arith.index_cast %arg0 : i32 to index
      %get3A_35 = memref.load %arg3[%get3A_34] : memref<80xi32, #tpu.memory_space<smem>>
      %eq3A_36 = arith.constant 1 : i32
      %eq3A_37 = arith.cmpi eq, %get3A_35, %eq3A_36 : i32
      %convert_element_type3A_38 = arith.extui %eq3A_37 : i1 to i32
      %cond3A_39 = arith.constant 0 : i32
      %cond3A_40 = arith.cmpi ne, %convert_element_type3A_38, %cond3A_39 : i32
      scf.if %cond3A_40 {
        %swap3A = arith.constant 0 : index
        %swap3A_48 = arith.constant 0 : index
        %swap3A_49 = vector.load %arg9[%swap3A, %swap3A_48] : memref<128x1024xf32, #tpu.memory_space<vmem>>, vector<128x1024xf32>
        tpu.vector_store %arg9[%swap3A, %swap3A_48], %mul3A_33 {strides = array<i32>} : memref<128x1024xf32, #tpu.memory_space<vmem>>, vector<128x1024xf32>,
      } else {
      }
      %get3A_41 = arith.index_cast %arg0 : i32 to index
      %get3A_42 = memref.load %arg3[%get3A_41] : memref<80xi32, #tpu.memory_space<smem>>
      %eq3A_43 = arith.constant 0 : i32
      %eq3A_44 = arith.cmpi eq, %get3A_42, %eq3A_43 : i32
      %convert_element_type3A_45 = arith.extui %eq3A_44 : i1 to i32
      %cond3A_46 = arith.constant 0 : i32
      %cond3A_47 = arith.cmpi ne, %convert_element_type3A_45, %cond3A_46 : i32
      scf.if %cond3A_47 {
        %get3A_48 = arith.constant 0 : index
        %get3A_49 = arith.constant 0 : index
        %get3A_50 = vector.load %arg9[%get3A_48, %get3A_49] : memref<128x1024xf32, #tpu.memory_space<vmem>>, vector<128x1024xf32>
        %add3A_51 = arith.addf %get3A_50, %mul3A_33 : vector<128x1024xf32>
        %swap3A = arith.constant 0 : index
        %swap3A_52 = arith.constant 0 : index
        %swap3A_53 = vector.load %arg9[%swap3A, %swap3A_52] : memref<128x1024xf32, #tpu.memory_space<vmem>>, vector<128x1024xf32>
        tpu.vector_store %arg9[%swap3A, %swap3A_52], %add3A_51 {strides = array<i32>} : memref<128x1024xf32, #tpu.memory_space<vmem>>, vector<128x1024xf32>,
      } else {
      }
    } else {
    }
    return
  }
  func.func @transform_0(%arg0: i32, %arg1: memref<80xi32, #tpu.memory_space<smem>>, %arg2: memref<80xi32, #tpu.memory_space<smem>>, %arg3: memref<80xi32, #tpu.memory_space<smem>>, %arg4: memref<80xi32, #tpu.memory_space<smem>>) -> (i32, i32) {
    %get3A = arith.index_cast %arg0 : i32 to index
    %get3A_0 = memref.load %arg1[%get3A] : memref<80xi32, #tpu.memory_space<smem>>
    %c0_i32 = arith.constant 0 : i32
    %c0_i32_1 = arith.constant 0 : i32
    return %get3A_0, %c0_i32 : i32, i32
  }
  func.func @transform_1(%arg0: i32, %arg1: memref<80xi32, #tpu.memory_space<smem>>, %arg2: memref<80xi32, #tpu.memory_space<smem>>, %arg3: memref<80xi32, #tpu.memory_space<smem>>, %arg4: memref<80xi32, #tpu.memory_space<smem>>) -> (i32, i32, i32, i32) {
    %get3A = arith.index_cast %arg0 : i32 to index
    %get3A_0 = memref.load %arg2[%get3A] : memref<80xi32, #tpu.memory_space<smem>>
    %c0_i32 = arith.constant 0 : i32
    %c0_i32_1 = arith.constant 0 : i32
    %c0_i32_2 = arith.constant 0 : i32
    %c0_i32_3 = arith.constant 0 : i32
    return %get3A_0, %c0_i32, %c0_i32_1, %c0_i32_2 : i32, i32, i32, i32
  }
  func.func @transform_2(%arg0: i32, %arg1: memref<80xi32, #tpu.memory_space<smem>>, %arg2: memref<80xi32, #tpu.memory_space<smem>>, %arg3: memref<80xi32, #tpu.memory_space<smem>>, %arg4: memref<80xi32, #tpu.memory_space<smem>>) -> (i32, i32, i32, i32) {
    %get3A = arith.index_cast %arg0 : i32 to index
    %get3A_0 = memref.load %arg2[%get3A] : memref<80xi32, #tpu.memory_space<smem>>
    %c1_i32 = arith.constant 1 : i32
    %c0_i32 = arith.constant 0 : i32
    %c0_i32_1 = arith.constant 0 : i32
    %c0_i32_2 = arith.constant 0 : i32
    return %get3A_0, %c1_i32, %c0_i32, %c0_i32_1 : i32, i32, i32, i32
  }
  func.func @transform_3(%arg0: i32, %arg1: memref<80xi32, #tpu.memory_space<smem>>, %arg2: memref<80xi32, #tpu.memory_space<smem>>, %arg3: memref<80xi32, #tpu.memory_space<smem>>, %arg4: memref<80xi32, #tpu.memory_space<smem>>) -> (i32, i32, i32) {
    %c0_i32 = arith.constant 0 : i32
    %c0_i32_0 = arith.constant 0 : i32
    %c0_i32_1 = arith.constant 0 : i32
    return %arg0, %c0_i32, %c0_i32_0 : i32, i32, i32
  }
  func.func @transform_4(%arg0: i32, %arg1: memref<80xi32, #tpu.memory_space<smem>>, %arg2: memref<80xi32, #tpu.memory_space<smem>>, %arg3: memref<80xi32, #tpu.memory_space<smem>>, %arg4: memref<80xi32, #tpu.memory_space<smem>>) -> (i32, i32) {
    %get3A = arith.index_cast %arg0 : i32 to index
    %get3A_0 = memref.load %arg1[%get3A] : memref<80xi32, #tpu.memory_space<smem>>
    %c0_i32 = arith.constant 0 : i32
    %c0_i32_1 = arith.constant 0 : i32
    return %get3A_0, %c0_i32 : i32, i32
  }
}

</mosaic_0001>

<sc_bundles>
// kernel: kernel.5.cloned.1.call-start
scs
__scs_entry_jumppad:
0x0: {  	(pc) =	sbr.rel $0x88, $3  }
0x1: {  	(tag) =	ssettag $0x0;
	lr =	simm.s32 $0x1  }
0x2: {  	[smem:$0x3F9D] =	sst lr;
	_ =	strace $0xD0000000  }
0x3: {  	_ = 	snop  }
0x4: {  	_ = 	snop  }
0x5: {  	_ = 	snop  }
0x6: {  	_ = 	snop  }
0x7: {  	_ = 	snop  }
__scs_overlays_trampoline_lowered:
0x8: {  	[smem:$0x3FAC] =	sst s0  }
0x9: {  	[smem:$0x3FAD] =	sst s1  }
0xa: {  	[smem:$0x3FAE] =	sst s2  }
0xb: {  	[smem:$0x3FAF] =	sst s3  }
0xc: {  	[smem:$0x3FB0] =	sst s4  }
0xd: {  	[smem:$0x3FB1] =	sst s5  }
0xe: {  	[smem:$0x3FB2] =	sst s6  }
0xf: {  	[smem:$0x3FB3] =	sst s7  }
0x10: {  	[smem:$0x3FB4] =	sst s8  }
0x11: {  	[smem:$0x3FB5] =	sst s9;
	s0 =	simm.s32 @!p0 $0x0  }
0x12: {  	s1 =	sld [smem:$0x3F9B];
	s0 =	simm.s32 @p0 $0x1  }
0x13: {  	[smem:$0x3FB6] =	sst s0;
	s0 =	simm.s32 @!p1 $0x0  }
0x14: {  	s2 =	sld [smem:$0x3F9A];
	s0 =	simm.s32 @p1 $0x1  }
0x15: {  	[smem:$0x3FB7] =	sst s0;
	s0 =	simm.s32 @!p2 $0x0  }
0x16: {  	s3 =	sld [smem:$0x3FDB];
	s0 =	simm.s32 @p2 $0x1  }
0x17: {  	s4 =	simm.s32 $0x1BF5;
	[smem:$0x3FB9] =	sst s0  }
0x18: {  	s0 =	sld [smem:$0x3F9C];
	_ =	swait.ge [sflag:s4], $0x0  }
0x19: {  	s7 =	sld [smem:$0x3F9D]  }
0x1a: {  	s8 =	sadd.s32 $0xFFFFE003, lr  }
0x1b: {  	s9 =	sadd.s32 $0xFFFFFEF7, lr;
	s5 =	simm.s32 $0xFFFFFFFF;
	p2 =	slt.u32 s8, $0xFFFFF086  }
0x1c: {  	p1 =	slt.u32 s9, $0xF7A;
	s5 =	simm.s32 @!p2 $0x0  }
0x1d: {  	s5 =	simm.s32 @p1 $0x1;
	p0 =	seq.s32 s7, s2  }
0x1e: {  	s7 =	smul.u32 @!p0 $0xF7A, s2;
	p2 =	seq.s32 @!p0 s5, $0x0  }
0x1f: {  	s9 =	smul.u32 $0xF7A, s1;
	s8 =	simm.s32 @!p0 $0x1BF5;
	p2 =	por !p2, p0  }
0x20: {  	[sflag:s8] =	ssyncset.s32 @!p0 $0xFFFFF086;
	s6 =	sadd.s32 @!p0 s3, s7;
	s7 =	simm.s32 @!p0 $0x108  }
0x21: {  	s3 =	sadd.s32 s3, s9;
	s6 =	sadd.s32 @!p0 $0x88, s6;
	s7 =	simm.s32 @p2 $0x1082  }
0x22: {  	[simem:s7], [sflag:s8] =	dma.local @!p0 [hbm:s6], $0xF7A  }
0x23: {  	s9 =	sor.u32 $0xD0000000, s2;
	s6 =	simm.s32 $0x108;
	_ =	swait.ge @!p0 [sflag:s8], $0x0  }
0x24: {  	s3 =	sadd.s32 $0x88, s3;
	s6 =	simm.s32 @!p1 $0x1082;
	[sflag:s4] =	ssyncset.s32 $0xFFFFF086  }
0x25: {  	[simem:s6], [sflag:s4] =	dma.local [hbm:s3], $0xF7A  }
0x26: {  	[smem:$0x3F9D] =	sst s1;
	(tag) =	ssettag s2;
	_ =	strace s9  }
0x27: {  	s1 =	sld [smem:$0x3FAD]  }
0x28: {  	s2 =	sld [smem:$0x3FAE]  }
0x29: {  	s4 =	sld [smem:$0x3FB0]  }
0x2a: {  	p0 =	seq.s32 s5, $0x0;
	s5 =	sld [smem:$0x3FB1]  }
0x2b: {  	s6 =	sld [smem:$0x3FB2]  }
0x2c: {  	s7 =	sld [smem:$0x3FB3]  }
0x2d: {  	s3 =	simm.s32 $0x108;
	s8 =	sld [smem:$0x3FB4]  }
0x2e: {  	s3 =	simm.s32 @!p0 $0x1082;
	s9 =	sld [smem:$0x3FB5]  }
0x2f: {  	lr =	sadd.s32 s0, s3;
	s0 =	sld [smem:$0x3FAC]  }
0x30: {  	s3 =	sld [smem:$0x3FAF]  }
0x31: {  	[smem:$0x3FB8] =	sst s10  }
0x32: {  	s10 =	sld [smem:$0x3FB6];
	_ =	sdelay $0x3  }
0x33: {  	p0 =	seq.s32 s10, $0x1;
	s10 =	sld [smem:$0x3FB8];
	_ =	sdelay $0x3  }
0x34: {  	[smem:$0x3FB8] =	sst s10  }
0x35: {  	s10 =	sld [smem:$0x3FB7];
	_ =	sdelay $0x3  }
0x36: {  	p1 =	seq.s32 s10, $0x1;
	s10 =	sld [smem:$0x3FB8];
	_ =	sdelay $0x3  }
0x37: {  	[smem:$0x3FB8] =	sst s10  }
0x38: {  	s10 =	sld [smem:$0x3FB9]  }
0x39: {  	_ = 	snop;
	(pc) =	sbr.ind lr, $3  }
0x3a: {  	_ = 	snop  }
0x3b: {  	_ = 	snop  }
0x3c: {  	p2 =	seq.s32 s10, $0x1;
	s10 =	sld [smem:$0x3FB8]  }
0x3d: {  	_ =	shalt  }
0x3e: {  	_ =	shalt  }
0x3f: {  	_ =	shalt  }
0x40: {  	_ =	shalt  }
0x41: {  	_ =	shalt  }
0x42: {  	_ =	shalt  }
0x43: {  	_ =	shalt  }
0x44: {  	_ =	shalt  }
0x45: {  	_ =	shalt  }
0x46: {  	_ =	shalt  }
0x47: {  	_ =	shalt  }
0x48: {  	_ =	shalt  }
0x49: {  	_ =	shalt  }
0x4a: {  	_ =	shalt  }
0x4b: {  	_ =	shalt  }
0x4c: {  	_ =	shalt  }
0x4d: {  	_ =	shalt  }
0x4e: {  	_ =	shalt  }
0x4f: {  	_ =	shalt  }
0x50: {  	_ =	shalt  }
0x51: {  	_ =	shalt  }
0x52: {  	_ =	shalt  }
0x53: {  	_ =	shalt  }
0x54: {  	_ =	shalt  }
0x55: {  	_ =	shalt  }
0x56: {  	_ =	shalt  }
0x57: {  	_ =	shalt  }
0x58: {  	_ =	shalt  }
0x59: {  	_ =	shalt  }
0x5a: {  	_ =	shalt  }
0x5b: {  	_ =	shalt  }
0x5c: {  	_ =	shalt  }
0x5d: {  	_ =	shalt  }
0x5e: {  	_ =	shalt  }
0x5f: {  	_ =	shalt  }
0x60: {  	_ =	shalt  }
0x61: {  	_ =	shalt  }
0x62: {  	_ =	shalt  }
0x63: {  	_ =	shalt  }
0x64: {  	_ =	shalt  }
0x65: {  	_ =	shalt  }
0x66: {  	_ =	shalt  }
0x67: {  	_ =	shalt  }
0x68: {  	_ =	shalt  }
0x69: {  	_ =	shalt  }
0x6a: {  	_ =	shalt  }
0x6b: {  	_ =	shalt  }
0x6c: {  	_ =	shalt  }
0x6d: {  	_ =	shalt  }
0x6e: {  	_ =	shalt  }
0x6f: {  	_ =	shalt  }
0x70: {  	_ =	shalt  }
0x71: {  	_ =	shalt  }
0x72: {  	_ =	shalt  }
0x73: {  	_ =	shalt  }
0x74: {  	_ =	shalt  }
0x75: {  	_ =	shalt  }
0x76: {  	_ =	shalt  }
0x77: {  	_ =	shalt  }
0x78: {  	_ =	shalt  }
0x79: {  	_ =	shalt  }
0x7a: {  	_ =	shalt  }
0x7b: {  	_ =	shalt  }
0x7c: {  	_ =	shalt  }
0x7d: {  	_ =	shalt  }
0x7e: {  	_ =	shalt  }
0x7f: {  	_ =	shalt  }
0x80: {  	_ =	shalt  }
0x81: {  	_ =	shalt  }
0x82: {  	_ =	shalt  }
0x83: {  	_ =	shalt  }
0x84: {  	_ =	shalt  }
0x85: {  	_ =	shalt  }
0x86: {  	_ =	shalt  }
0x87: {  	_ =	shalt  }
.Lfunc_end0:
.L_simem_size_0:
called_computation_lowered:
.L_overlay_start_0:
0x88: {  	s2 =	sld [smem:$0x3FD9]  }
0x89: {  	s3 =	sld [smem:$0x3FFE];
	_ =	sdelay $0x1  }
0x8a: {  	s1 =	srdreg.scid  }
0x8b: {  	s0 =	sand.u32 $0x1, s1  }
0x8c: {  	s17 =	sshll.u32 s0, $0xA;
	s2 =	sadd.s32 s3, s2  }
0x8d: {  	s2 =	sadd.s32 s2, s17  }
0x8e: {  	[smem:$0x3FC4] =	sst s2  }
0x8f: {  	_ = 	snop  }
0x90: {  	s2 =	sld [smem:$0x3FC9]  }
0x91: {  	s18 =	sld [smem:$0x3FD0];
	(tm) =	ssettm $0x1  }
0x92: {  	s4 =	sld [smem:$0x3FFB];
	_ =	sdelay $0x3  }
0x93: {  	_ =	strace s4  }
0x94: {  	s4 =	sld [smem:$0x3FFC];
	_ =	sdelay $0x3  }
0x95: {  	_ =	strace s4  }
0x96: {  	s4 =	sld [smem:$0x3FFD];
	_ =	sdelay $0x3  }
0x97: {  	_ =	strace s4  }
0x98: {  	_ =	strace $0x8FFFFFFF  }
0x99: {  	s19 =	sld [smem:$0x3FDB];
	_ =	sdelay $0x1  }
0x9a: {  	s5 =	simm.s32 $_scs_section_size  }
0x9b: {  	s6 =	simm.s32 $_size__tile_overlayer_lowered;
	s7 =	simm.s32 $_tile_overlayer_lowered  }
0x9c: {  	s22 =	simm.s32 $0x1BFF;
	s21 =	sshll.u32 s7, $0x1;
	s4 =	sadd.s32 s5, s19  }
0x9d: {  	s8 =	simm.s32 $0x0;
	s20 =	sshll.u32 s6, $0x1;
	s6 =	sadd.s32 s21, s4  }
0x9e: {  	[timem:s8], [sflag:s22] =	dma.local [hbm:s6], s20  }
0x9f: {  	_ =	swait.ge [sflag:s22], s20  }
0xa0: {  	s5 =	ssub.s32 $0x0, s20;
	[sflag:s22] =	ssyncset.done $0x0  }
0xa1: {  	[sflag:s22] =	ssyncadd.s32 s5;
	_ =	sdelay $0x1  }
0xa2: {  	s23 =	simm.s32 $0x1B8B  }
0xa3: {  	_ =	swait.ge [sflag:s23], $0x1  }
0xa4: {  	[sflag:s23] =	ssyncset.done $0x0  }
0xa5: {  	s25 =	simm.s32 $0x1B8E;
	s24 =	sld [smem:$0x3FFE];
	[sflag:s23] =	ssyncadd.s32 $0xFFFFFFFF  }
0xa6: {  	s26 =	simm.s32 $execute0_lowered;
	[smem:$0x3FD2] =	sst s25  }
0xa7: {  	s6 =	sshll.u32 s26, $0x1;
	_ =	strace $0x80000046;
	[dreg:$0x1] =	wrdreg $0xFFFFFFFF  }
0xa8: {  	s28 =	simm.s32 $_size_execute0_lowered;
	s4 =	sadd.s32 s4, s6;
	[dreg:$0x0] =	wrdreg $0x0  }
0xa9: {  	s6 =	sshll.u32 s28, $0x1;
	[dreg:$0x2] =	wrdreg s4  }
0xaa: {  	[dreg:$0x3] =	wrdreg s6  }
0xab: {  	[dreg:$0x4] =	wrdreg $0xC0  }
0xac: {  	_ =	task [dreg:s8], $0x5FFFF  }
0xad: {  	[dreg:$0x1] =	wrdreg $0xFFFFFFFF  }
0xae: {  	[dreg:$0x0] =	wrdreg $0x60  }
0xaf: {  	[dreg:$0x2] =	wrdreg s2  }
0xb0: {  	[dreg:$0x3] =	wrdreg s18  }
0xb1: {  	[dreg:$0x4] =	wrdreg s24  }
0xb2: {  	[dreg:$0x5] =	wrdreg $0x9  }
0xb3: {  	_ =	task.clear_ibuf [dreg:s8], $0x6FFFF;
	_ =	strace $0x90000046  }
0xb4: {  	s29 =	simm.s32 $0x9;
	_ =	strace $0x80000048  }
0xb5: {  	_ =	swait.ge [sflag:s29], $0x1  }
0xb6: {  	[sflag:s29] =	ssyncadd.s32 $0xFFFFFFFF  }
0xb7: {  	_ =	strace $0x90000048  }
0xb8: {  	_ =	sfence  }
0xb9: {  	s30 =	sld [smem:$0x0];
	_ =	sdelay $0x2  }
0xba: {  	s31 =	sshll.u32 s1, $0xD;
	s1 =	sshrl.u32 s1, $0x2  }
0xbb: {  	s3 =	sand.u32 $0x4000, s31;
	s1 =	sadd.s32 s1, s30  }
0xbc: {  	s0 =	sor.u32 s3, s0;
	s1 =	sshll.u32 s1, $0x11  }
0xbd: {  	s0 =	sor.u32 s1, s0  }
0xbe: {  	s0 =	sadd.s32 $0x8F2B, s0  }
0xbf: {  	[sflag:s0] =	ssyncadd.remote.s32 $0x1  }
0xc0: {  	_ =	sfence.sel $0xFFFF  }
0xc1: {  	[dreg:$0x0] =	wrdreg $0xFFFFFFFF;
	(pc) =	sbr.abs _section_cstart, $3  }
0xc2: {  	[dreg:$0x1] =	wrdreg $0xFFFFFFFF  }
0xc3: {  	_ =	task.clear_ibuf [dreg:s8], $0x2FFFF;
	_ =	strace $0x9FFFFFFF  }
0xc4: {  	(tm) =	ssettm $0x7FFFFFFF  }
0xc5: {  	_ =	shalt  }
tec
execute0_lowered:
.L_overlay_start_1:
0x0: {  	(tag) =	ssettag $0x1  }
0x1: {  	s3 =	rddreg [dreg:$0x0]  }
0x2: {  	s5 =	rddreg [dreg:$0x1]  }
0x3: {  	s1 =	srdreg.scid;
	s9 =	rddreg [dreg:$0x2]  }
0x4: {  	s2 =	simm.s32 $0x0;
	s6 =	sand.u32 $0x1, s1;
	s1 =	rddreg [dreg:$0x3]  }
0x5: {  	s20 =	simm.s32 $0x880;
	[smem:$0x7FF] =	sst s2  }
0x6: {  	s21 =	simm.s32 $0x1080;
	_ =	strace $0x80000047;
	[dreg:$0xc] =	wrdreg s20  }
0x7: {  	s22 =	simm.s32 $0x1880;
	[dreg:$0xd] =	wrdreg s21  }
0x8: {  	s23 =	simm.s32 $0x2C80;
	[dreg:$0xe] =	wrdreg s22  }
0x9: {  	s0 =	stileid.u32;
	s24 =	simm.s32 $0x3480;
	[dreg:$0xf] =	wrdreg s23  }
0xa: {  	s25 =	simm.s32 $0x3C80;
	s26 =	simm.s32 $0x5080;
	[dreg:$0x10] =	wrdreg s24  }
0xb: {  	s11 =	simm.s32 $0x5880;
	s30 =	simm.s32 $0x6080;
	[dreg:$0x11] =	wrdreg s25  }
0xc: {  	s31 =	simm.s32 $0x7480;
	s12 =	simm.s32 $0x7C80;
	[dreg:$0x12] =	wrdreg s26  }
0xd: {  	s13 =	simm.s32 $0x8480;
	s28 =	simm.s32 $0x11C80;
	[dreg:$0x13] =	wrdreg s11  }
0xe: {  	s29 =	simm.s32 $0x1;
	s4 =	sshll.u32 s0, $0x7;
	[dreg:$0x14] =	wrdreg s30  }
0xf: {  	s7 =	sshll.u32 s6, $0x6;
	s6 =	ssub.s32 $0x2, s6;
	[dreg:$0x15] =	wrdreg s31  }
0x10: {  	s11 =	simm.s32 $0x2;
	[dreg:$0x16] =	wrdreg s12;
	s12 =	simm.s32 $0x80  }
0x11: {  	[dreg:$0x17] =	wrdreg s13;
	s13 =	simm.s32 $0x2480;
	s20 =	simm.s32 $0xE080  }
0x12: {  	s21 =	simm.s32 $0xE880;
	s22 =	simm.s32 $0xF080;
	s23 =	simm.s32 $0x10480  }
0x13: {  	s24 =	simm.s32 $0x10C80;
	s25 =	simm.s32 $0x11480;
	[dreg:$0x1e] =	wrdreg s20  }
0x14: {  	s26 =	simm.s32 $0xF880;
	s7 =	sor.u32 s7, s4;
	[dreg:$0x1f] =	wrdreg s21  }
0x15: {  	s10 =	sshrl.u32 s6, $0x1;
	s20 =	simm.s32 $0x2080;
	[smem:$0x7FA] =	sst s22  }
0x16: {  	s21 =	simm.s32 $0x4480;
	s22 =	simm.s32 $0x6880;
	[smem:$0x7FB] =	sst s23  }
0x17: {  	s23 =	simm.s32 $0x8C80;
	[smem:$0x7FC] =	sst s24;
	s24 =	simm.s32 $0xB080  }
0x18: {  	[smem:$0x7FD] =	sst s25;
	s4 =	sshrl.u32 s7, $0x3;
	s8 =	sshll.u32 s7, $0x7  }
0x19: {  	s25 =	simm.s32 $0xD480;
	s4 =	sadd.s32 s9, s4;
	s3 =	sadd.s32 s3, s8  }
0x1a: {  	s10 =	ssub.s32 s6, s10;
	[dreg:$0x4] =	wrdreg s4;
	s14 =	sadd.s32 $0x400, s3  }
0x1b: {  	s7 =	sshll.u32 s7, $0x4;
	s15 =	sadd.s32 $0x800, s3;
	[dreg:$0x5] =	wrdreg s14  }
0x1c: {  	s6 =	sadd.s32 $0x300, s9;
	s16 =	sadd.s32 $0xC00, s3;
	[dreg:$0x6] =	wrdreg s15  }
0x1d: {  	s5 =	sadd.s32 s5, s7;
	s17 =	sadd.s32 $0x1000, s3;
	[dreg:$0x7] =	wrdreg s16  }
0x1e: {  	s7 =	sadd.s32 $0x400, s9;
	s18 =	sadd.s32 $0x1400, s3;
	[dreg:$0x8] =	wrdreg s17  }
0x1f: {  	s10 =	smax.u32 s10, $0x1;
	s19 =	sadd.s32 $0x1800, s3;
	[dreg:$0x9] =	wrdreg s18  }
0x20: {  	s8 =	sadd.s32 $0x1C00, s3;
	s4 =	sadd.s32 $0x200, s9;
	[dreg:$0xa] =	wrdreg s19  }
0x21: {  	[dreg:$0xb] =	wrdreg s8;
	s8 =	sadd.s32 $0x500, s9;
	s14 =	simm.s32 $0x9880  }
0x22: {  	s9 =	sadd.s32 $0x600, s9;
	s15 =	simm.s32 $0xA080;
	[dreg:$0x18] =	wrdreg s14  }
0x23: {  	s16 =	simm.s32 $0xA880;
	s17 =	simm.s32 $0xBC80;
	[dreg:$0x19] =	wrdreg s15  }
0x24: {  	s18 =	simm.s32 $0xC480;
	s19 =	simm.s32 $0xCC80;
	[dreg:$0x1a] =	wrdreg s16  }
0x25: {  	v2 =	vlaneseq.u32;
	s14 =	simm.s32 $0x4880;
	s15 =	simm.s32 $0x6C80;
	[dreg:$0x1b] =	wrdreg s17  }
0x26: {  	vm0 =	vmmov $0xffff;
	vm1 =	vmmov $0xff;
	v1 =	vshrl.u32 v2, $0x3;
	s16 =	simm.s32 $0x9080;
	s17 =	simm.s32 $0xB480;
	[dreg:$0x1c] =	wrdreg s18  }
0x27: {  	v0 =	vand.u32 $0x7, v2;
	v2 =	vor.u32 $0x8, v2;
	v1 =	vmul.u32 $0x8, v1;
	s18 =	simm.s32 $0xD880;
	[dreg:$0x1d] =	wrdreg s19;
	s19 =	simm.s32 $0xFC80  }
.LBB2_1:
0x28: {  	s30 =	rddreg [dreg:$0x4]  }
0x29: {  	[tilespmem:s2], [sflag:$0x2] =	stream.linear.gather [hbm4b:s30+s2], $0x40, $0x38;
	[tilespmem:$0x12080] =	vst v63  }
0x2a: {  	_ =	swait.ge [sflag:s11], $0x40  }
0x2b: {  	[sflag:s11] =	ssyncset.done $0x0  }
0x2c: {  	[sflag:s11] =	ssyncadd.s32 $0xFFFFFFC0  }
0x2d: {  	[tilespmem:s12], [sflag:$0x2] =	stream.linear.gather [hbm4b:s3+s2], $0x2000, $0x38;
	[tilespmem:$0x12080] =	vst v63  }
0x2e: {  	s30 =	rddreg [dreg:$0x5]  }
0x2f: {  	[tilespmem:s13], [sflag:$0x2] =	stream.linear.gather [hbm4b:s30+s2], $0x2000, $0x38;
	[tilespmem:$0x12080] =	vst v63  }
0x30: {  	s31 =	rddreg [dreg:$0x6]  }
0x31: {  	[tilespmem:s14], [sflag:$0x2] =	stream.linear.gather [hbm4b:s31+s2], $0x2000, $0x38;
	[tilespmem:$0x12080] =	vst v63  }
0x32: {  	s30 =	rddreg [dreg:$0x7]  }
0x33: {  	[tilespmem:s15], [sflag:$0x2] =	stream.linear.gather [hbm4b:s30+s2], $0x2000, $0x38;
	[tilespmem:$0x12080] =	vst v63  }
0x34: {  	s31 =	rddreg [dreg:$0x8]  }
0x35: {  	[tilespmem:s16], [sflag:$0x2] =	stream.linear.gather [hbm4b:s31+s2], $0x2000, $0x38;
	[tilespmem:$0x12080] =	vst v63  }
0x36: {  	s30 =	rddreg [dreg:$0x9]  }
0x37: {  	[tilespmem:s17], [sflag:$0x2] =	stream.linear.gather [hbm4b:s30+s2], $0x2000, $0x38;
	[tilespmem:$0x12080] =	vst v63  }
0x38: {  	s31 =	rddreg [dreg:$0xa]  }
0x39: {  	[tilespmem:s18], [sflag:$0x2] =	stream.linear.gather [hbm4b:s31+s2], $0x2000, $0x38;
	[tilespmem:$0x12080] =	vst v63  }
0x3a: {  	s30 =	rddreg [dreg:$0xb]  }
0x3b: {  	[tilespmem:s19], [sflag:$0x2] =	stream.linear.gather [hbm4b:s30+s2], $0x2000, $0x38;
	[tilespmem:$0x12080] =	vst v63  }
0x3c: {  	_ =	swait.ge [sflag:s11], $0x10000  }
0x3d: {  	[sflag:s11] =	ssyncset.done $0x0  }
0x3e: {  	[sflag:s11] =	ssyncadd.s32 $0xFFFF0000  }
0x3f: {  	[tilespmem:s20], [sflag:$0x2] =	stream.linear.gather [hbm4b:s5+s2], $0x400, $0x38;
	[tilespmem:$0x12080] =	vst v63  }
0x40: {  	s31 =	sadd.s32 $0x80, s5  }
0x41: {  	[tilespmem:s21], [sflag:$0x2] =	stream.linear.gather [hbm4b:s31+s2], $0x400, $0x38;
	[tilespmem:$0x12080] =	vst v63  }
0x42: {  	s31 =	sadd.s32 $0x100, s5  }
0x43: {  	[tilespmem:s22], [sflag:$0x2] =	stream.linear.gather [hbm4b:s31+s2], $0x400, $0x38;
	[tilespmem:$0x12080] =	vst v63  }
0x44: {  	s31 =	sadd.s32 $0x180, s5  }
0x45: {  	[tilespmem:s23], [sflag:$0x2] =	stream.linear.gather [hbm4b:s31+s2], $0x400, $0x38;
	[tilespmem:$0x12080] =	vst v63  }
0x46: {  	s31 =	sadd.s32 $0x200, s5  }
0x47: {  	[tilespmem:s24], [sflag:$0x2] =	stream.linear.gather [hbm4b:s31+s2], $0x400, $0x38;
	[tilespmem:$0x12080] =	vst v63  }
0x48: {  	s31 =	sadd.s32 $0x280, s5  }
0x49: {  	[tilespmem:s25], [sflag:$0x2] =	stream.linear.gather [hbm4b:s31+s2], $0x400, $0x38;
	[tilespmem:$0x12080] =	vst v63  }
0x4a: {  	s31 =	sadd.s32 $0x300, s5  }
0x4b: {  	[tilespmem:s26], [sflag:$0x2] =	stream.linear.gather [hbm4b:s31+s2], $0x400, $0x38;
	[tilespmem:$0x12080] =	vst v63  }
0x4c: {  	s31 =	sadd.s32 $0x380, s5  }
0x4d: {  	[tilespmem:s28], [sflag:$0x2] =	stream.linear.gather [hbm4b:s31+s2], $0x400, $0x38;
	[tilespmem:$0x12080] =	vst v63  }
0x4e: {  	_ =	swait.ge [sflag:s11], $0x2000  }
0x4f: {  	[sflag:s11] =	ssyncset.done $0x0  }
0x50: {  	[sflag:s11] =	ssyncadd.s32 $0xFFFFE000  }
0x51: {  	v3 =	vld [tilespmem:$0x0];
	_ =	sdelay $0x4  }
0x52: {  	v4 =	vshrl.u32 v3, $0x3  }
0x53: {  	v4 =	vmul.u32 $0x48, v4  }
0x54: {  	v3 =	vand.u32 $0x7, v3  }
0x55: {  	v3 =	vor.u32 v3, v4  }
0x56: {  	v4 =	vperm.xlane v3, v0;
	_ =	sdelay $0x1  }
0x57: {  	v4 =	vadd.s32 v1, v4;
	_ =	sdelay $0x4  }
0x58: {  	[hbm4b:s4+s2] =	stream.indirect_vreg.scatter [tilespmem:s12], [sflag:$0x1], $0x80, v4, vm0, $0xb8;
	[tilespmem:$0x12080] =	vst v63  }
0x59: {  	s30 =	rddreg [dreg:$0xc]  }
0x5a: {  	[hbm4b:s6+s2] =	stream.indirect_vreg.scatter [tilespmem:s30], [sflag:$0x1], $0x80, v4, vm0, $0xb8;
	[tilespmem:$0x12080] =	vst v63  }
0x5b: {  	s31 =	rddreg [dreg:$0xd];
	v3 =	vperm.xlane v3, v2  }
0x5c: {  	[hbm4b:s7+s2] =	stream.indirect_vreg.scatter [tilespmem:s31], [sflag:$0x1], $0x80, v4, vm0, $0xb8;
	[tilespmem:$0x12080] =	vst v63  }
0x5d: {  	v3 =	vadd.s32 v1, v3;
	s30 =	rddreg [dreg:$0xe]  }
0x5e: {  	[hbm4b:s8+s2] =	stream.indirect_vreg.scatter [tilespmem:s30], [sflag:$0x1], $0x80, v4, vm0, $0xb8;
	[tilespmem:$0x12080] =	vst v63  }
0x5f: {  	_ = 	snop  }
0x60: {  	[hbm4b:s9+s2] =	stream.indirect_vreg.scatter [tilespmem:s20], [sflag:$0x1], $0x80, v4, vm1, $0xb8;
	[tilespmem:$0x12080] =	vst v63  }
0x61: {  	_ = 	snop  }
0x62: {  	[hbm4b:s4+s2] =	stream.indirect_vreg.scatter [tilespmem:s13], [sflag:$0x1], $0x80, v3, vm0, $0xb8;
	[tilespmem:$0x12080] =	vst v63  }
0x63: {  	s30 =	rddreg [dreg:$0xf]  }
0x64: {  	[hbm4b:s6+s2] =	stream.indirect_vreg.scatter [tilespmem:s30], [sflag:$0x1], $0x80, v3, vm0, $0xb8;
	[tilespmem:$0x12080] =	vst v63  }
0x65: {  	s31 =	rddreg [dreg:$0x10]  }
0x66: {  	[hbm4b:s7+s2] =	stream.indirect_vreg.scatter [tilespmem:s31], [sflag:$0x1], $0x80, v3, vm0, $0xb8;
	[tilespmem:$0x12080] =	vst v63  }
0x67: {  	s30 =	rddreg [dreg:$0x11]  }
0x68: {  	[hbm4b:s8+s2] =	stream.indirect_vreg.scatter [tilespmem:s30], [sflag:$0x1], $0x80, v3, vm0, $0xb8;
	[tilespmem:$0x12080] =	vst v63  }
0x69: {  	_ = 	snop  }
0x6a: {  	[hbm4b:s9+s2] =	stream.indirect_vreg.scatter [tilespmem:s21], [sflag:$0x1], $0x80, v3, vm1, $0xb8;
	[tilespmem:$0x12080] =	vst v63  }
0x6b: {  	v3 =	vld [tilespmem:$0x10];
	_ =	sdelay $0x4  }
0x6c: {  	v61 =	vshrl.u32 v3, $0x3  }
0x6d: {  	v4 =	vmul.u32 $0x48, v61  }
0x6e: {  	v3 =	vand.u32 $0x7, v3  }
0x6f: {  	v3 =	vor.u32 v3, v4  }
0x70: {  	v4 =	vperm.xlane v3, v0;
	_ =	sdelay $0x1  }
0x71: {  	v4 =	vadd.s32 v1, v4;
	_ =	sdelay $0x4  }
0x72: {  	[hbm4b:s4+s2] =	stream.indirect_vreg.scatter [tilespmem:s14], [sflag:$0x1], $0x80, v4, vm0, $0xb8;
	[tilespmem:$0x12080] =	vst v63  }
0x73: {  	s30 =	rddreg [dreg:$0x12]  }
0x74: {  	[hbm4b:s6+s2] =	stream.indirect_vreg.scatter [tilespmem:s30], [sflag:$0x1], $0x80, v4, vm0, $0xb8;
	[tilespmem:$0x12080] =	vst v63  }
0x75: {  	s31 =	rddreg [dreg:$0x13];
	v3 =	vperm.xlane v3, v2  }
0x76: {  	[hbm4b:s7+s2] =	stream.indirect_vreg.scatter [tilespmem:s31], [sflag:$0x1], $0x80, v4, vm0, $0xb8;
	[tilespmem:$0x12080] =	vst v63  }
0x77: {  	v3 =	vadd.s32 v1, v3;
	s30 =	rddreg [dreg:$0x14]  }
0x78: {  	[hbm4b:s8+s2] =	stream.indirect_vreg.scatter [tilespmem:s30], [sflag:$0x1], $0x80, v4, vm0, $0xb8;
	[tilespmem:$0x12080] =	vst v63  }
0x79: {  	_ = 	snop  }
0x7a: {  	[hbm4b:s9+s2] =	stream.indirect_vreg.scatter [tilespmem:s22], [sflag:$0x1], $0x80, v4, vm1, $0xb8;
	[tilespmem:$0x12080] =	vst v63  }
0x7b: {  	_ = 	snop  }
0x7c: {  	[hbm4b:s4+s2] =	stream.indirect_vreg.scatter [tilespmem:s15], [sflag:$0x1], $0x80, v3, vm0, $0xb8;
	[tilespmem:$0x12080] =	vst v63  }
0x7d: {  	s30 =	rddreg [dreg:$0x15]  }
0x7e: {  	[hbm4b:s6+s2] =	stream.indirect_vreg.scatter [tilespmem:s30], [sflag:$0x1], $0x80, v3, vm0, $0xb8;
	[tilespmem:$0x12080] =	vst v63  }
0x7f: {  	s31 =	rddreg [dreg:$0x16]  }
0x80: {  	[hbm4b:s7+s2] =	stream.indirect_vreg.scatter [tilespmem:s31], [sflag:$0x1], $0x80, v3, vm0, $0xb8;
	[tilespmem:$0x12080] =	vst v63  }
0x81: {  	s30 =	rddreg [dreg:$0x17]  }
0x82: {  	[hbm4b:s8+s2] =	stream.indirect_vreg.scatter [tilespmem:s30], [sflag:$0x1], $0x80, v3, vm0, $0xb8;
	[tilespmem:$0x12080] =	vst v63  }
0x83: {  	_ = 	snop  }
0x84: {  	[hbm4b:s9+s2] =	stream.indirect_vreg.scatter [tilespmem:s23], [sflag:$0x1], $0x80, v3, vm1, $0xb8;
	[tilespmem:$0x12080] =	vst v63  }
0x85: {  	v3 =	vld [tilespmem:$0x20];
	_ =	sdelay $0x4  }
0x86: {  	v62 =	vshrl.u32 v3, $0x3  }
0x87: {  	v4 =	vmul.u32 $0x48, v62  }
0x88: {  	v3 =	vand.u32 $0x7, v3  }
0x89: {  	v3 =	vor.u32 v3, v4  }
0x8a: {  	v4 =	vperm.xlane v3, v0;
	_ =	sdelay $0x1  }
0x8b: {  	v4 =	vadd.s32 v1, v4;
	_ =	sdelay $0x4  }
0x8c: {  	[hbm4b:s4+s2] =	stream.indirect_vreg.scatter [tilespmem:s16], [sflag:$0x1], $0x80, v4, vm0, $0xb8;
	[tilespmem:$0x12080] =	vst v63  }
0x8d: {  	s30 =	rddreg [dreg:$0x18]  }
0x8e: {  	[hbm4b:s6+s2] =	stream.indirect_vreg.scatter [tilespmem:s30], [sflag:$0x1], $0x80, v4, vm0, $0xb8;
	[tilespmem:$0x12080] =	vst v63  }
0x8f: {  	s31 =	rddreg [dreg:$0x19];
	v3 =	vperm.xlane v3, v2  }
0x90: {  	[hbm4b:s7+s2] =	stream.indirect_vreg.scatter [tilespmem:s31], [sflag:$0x1], $0x80, v4, vm0, $0xb8;
	[tilespmem:$0x12080] =	vst v63  }
0x91: {  	v3 =	vadd.s32 v1, v3;
	s30 =	rddreg [dreg:$0x1a]  }
0x92: {  	[hbm4b:s8+s2] =	stream.indirect_vreg.scatter [tilespmem:s30], [sflag:$0x1], $0x80, v4, vm0, $0xb8;
	[tilespmem:$0x12080] =	vst v63  }
0x93: {  	_ = 	snop  }
0x94: {  	[hbm4b:s9+s2] =	stream.indirect_vreg.scatter [tilespmem:s24], [sflag:$0x1], $0x80, v4, vm1, $0xb8;
	[tilespmem:$0x12080] =	vst v63  }
0x95: {  	_ = 	snop  }
0x96: {  	[hbm4b:s4+s2] =	stream.indirect_vreg.scatter [tilespmem:s17], [sflag:$0x1], $0x80, v3, vm0, $0xb8;
	[tilespmem:$0x12080] =	vst v63  }
0x97: {  	s30 =	rddreg [dreg:$0x1b]  }
0x98: {  	[hbm4b:s6+s2] =	stream.indirect_vreg.scatter [tilespmem:s30], [sflag:$0x1], $0x80, v3, vm0, $0xb8;
	[tilespmem:$0x12080] =	vst v63  }
0x99: {  	s31 =	rddreg [dreg:$0x1c]  }
0x9a: {  	[hbm4b:s7+s2] =	stream.indirect_vreg.scatter [tilespmem:s31], [sflag:$0x1], $0x80, v3, vm0, $0xb8;
	[tilespmem:$0x12080] =	vst v63  }
0x9b: {  	s30 =	rddreg [dreg:$0x1d]  }
0x9c: {  	[hbm4b:s8+s2] =	stream.indirect_vreg.scatter [tilespmem:s30], [sflag:$0x1], $0x80, v3, vm0, $0xb8;
	[tilespmem:$0x12080] =	vst v63  }
0x9d: {  	_ = 	snop  }
0x9e: {  	[hbm4b:s9+s2] =	stream.indirect_vreg.scatter [tilespmem:s25], [sflag:$0x1], $0x80, v3, vm1, $0xb8;
	[tilespmem:$0x12080] =	vst v63  }
0x9f: {  	v3 =	vld [tilespmem:$0x30];
	_ =	sdelay $0x4  }
0xa0: {  	v63 =	vshrl.u32 v3, $0x3  }
0xa1: {  	v4 =	vmul.u32 $0x48, v63  }
0xa2: {  	v3 =	vand.u32 $0x7, v3  }
0xa3: {  	v3 =	vor.u32 v3, v4  }
0xa4: {  	v4 =	vperm.xlane v3, v0;
	_ =	sdelay $0x1  }
0xa5: {  	v4 =	vadd.s32 v1, v4;
	_ =	sdelay $0x3  }
0xa6: {  	s31 =	rddreg [dreg:$0x1f]  }
0xa7: {  	[hbm4b:s4+s2] =	stream.indirect_vreg.scatter [tilespmem:s18], [sflag:$0x1], $0x80, v4, vm0, $0xb8;
	[tilespmem:$0x12080] =	vst v63  }
0xa8: {  	s30 =	rddreg [dreg:$0x1e]  }
0xa9: {  	[hbm4b:s6+s2] =	stream.indirect_vreg.scatter [tilespmem:s30], [sflag:$0x1], $0x80, v4, vm0, $0xb8;
	[tilespmem:$0x12080] =	vst v63  }
0xaa: {  	v3 =	vperm.xlane v3, v2;
	s30 =	sld [smem:$0x7FA]  }
0xab: {  	[hbm4b:s7+s2] =	stream.indirect_vreg.scatter [tilespmem:s31], [sflag:$0x1], $0x80, v4, vm0, $0xb8;
	[tilespmem:$0x12080] =	vst v63  }
0xac: {  	v3 =	vadd.s32 v1, v3  }
0xad: {  	[hbm4b:s8+s2] =	stream.indirect_vreg.scatter [tilespmem:s30], [sflag:$0x1], $0x80, v4, vm0, $0xb8;
	[tilespmem:$0x12080] =	vst v63  }
0xae: {  	_ = 	snop  }
0xaf: {  	[hbm4b:s9+s2] =	stream.indirect_vreg.scatter [tilespmem:s26], [sflag:$0x1], $0x80, v4, vm1, $0xb8;
	[tilespmem:$0x12080] =	vst v63  }
0xb0: {  	s30 =	sld [smem:$0x7FB]  }
0xb1: {  	[hbm4b:s4+s2] =	stream.indirect_vreg.scatter [tilespmem:s19], [sflag:$0x1], $0x80, v3, vm0, $0xb8;
	[tilespmem:$0x12080] =	vst v63  }
0xb2: {  	s31 =	sld [smem:$0x7FC]  }
0xb3: {  	[hbm4b:s6+s2] =	stream.indirect_vreg.scatter [tilespmem:s30], [sflag:$0x1], $0x80, v3, vm0, $0xb8;
	[tilespmem:$0x12080] =	vst v63  }
0xb4: {  	s30 =	sld [smem:$0x7FD]  }
0xb5: {  	[hbm4b:s7+s2] =	stream.indirect_vreg.scatter [tilespmem:s31], [sflag:$0x1], $0x80, v3, vm0, $0xb8;
	[tilespmem:$0x12080] =	vst v63  }
0xb6: {  	p0 =	sne.s32 s10, $0x1  }
0xb7: {  	[hbm4b:s8+s2] =	stream.indirect_vreg.scatter [tilespmem:s30], [sflag:$0x1], $0x80, v3, vm0, $0xb8;
	[tilespmem:$0x12080] =	vst v63  }
.Ltmp0:
0xb8: {  	_ = 	snop;
	(pc) =	sbr.rel @p0 .LBB2_1-.Ltmp0, $4  }
0xb9: {  	[hbm4b:s9+s2] =	stream.indirect_vreg.scatter [tilespmem:s28], [sflag:$0x1], $0x80, v3, vm1, $0xb8;
	[tilespmem:$0x12080] =	vst v63  }
0xba: {  	_ =	swait.ge [sflag:s29], $0x12000  }
0xbb: {  	[sflag:s29] =	ssyncset.done $0x0  }
0xbc: {  	s10 =	sadd.s32 $0xFFFFFFFF, s10;
	[sflag:s29] =	ssyncadd.s32 $0xFFFEE000  }
0xbd: {  	_ =	sfence.sel $0x180000  }
0xbe: {  	[bflag:$0x0] =	sbarrier.arrive $0xFFFF  }
0xbf: {  	p0 =	sne.s32 s0, $0x0;
	_ =	strace $0x90000047  }
0xc0: {  	s0 =	sadd.s32 @!p0 $0x100000, s1;
	[bflag:$0x2] =	sbarrier.arrive $0xFFFF  }
0xc1: {  	[sflag:s0] =	ssyncadd.tile.s32 @!p0 $0x1;
	_ =	shalt  }
.Lfunc_end2:
_tile_overlayer_lowered:
.L_overlay_start_2:
0xc2: {  	(tag) =	ssettag $0x2  }
0xc3: {  	s0 =	rddreg [dreg:$0x0];
	s2 =	stileid.u32  }
0xc4: {  	s1 =	rddreg [dreg:$0x1];
	p0 =	sne.s32 s2, $0x0  }
0xc5: {  	s3 =	rddreg [dreg:$0x2];
	[bflag:$0x3] =	sbarrier.arrive $0xFFFF;
	s2 =	simm.s32 @!p0 $0x1C02  }
0xc6: {  	[timem:s3], [sflag:s2] =	dma.local @!p0 [hbm:s0], s1  }
0xc7: {  	s0 =	simm.s32 @!p0 $0x2  }
0xc8: {  	_ =	swait.ge @!p0 [sflag:s0], s1  }
0xc9: {  	s1 =	ssub.s32 @!p0 $0x0, s1;
	[sflag:s0] =	ssyncset.done @!p0 $0x0  }
0xca: {  	[sflag:s0] =	ssyncadd.s32 @!p0 s1  }
0xcb: {  	[bflag:$0x3] =	sbarrier.arrive $0xFFFF  }
0xcc: {  	_ =	shalt  }

// kernel: kernel.8.cloned.1.call-start
scs
__scs_entry_jumppad:
0x0: {  	(pc) =	sbr.rel $0x88, $3  }
0x1: {  	(tag) =	ssettag $0x0;
	lr =	simm.s32 $0x1  }
0x2: {  	[smem:$0x3F9D] =	sst lr;
	_ =	strace $0xD0000000  }
0x3: {  	_ = 	snop  }
0x4: {  	_ = 	snop  }
0x5: {  	_ = 	snop  }
0x6: {  	_ = 	snop  }
0x7: {  	_ = 	snop  }
__scs_overlays_trampoline_lowered:
0x8: {  	[smem:$0x3FAC] =	sst s0  }
0x9: {  	[smem:$0x3FAD] =	sst s1  }
0xa: {  	[smem:$0x3FAE] =	sst s2  }
0xb: {  	[smem:$0x3FAF] =	sst s3  }
0xc: {  	[smem:$0x3FB0] =	sst s4  }
0xd: {  	[smem:$0x3FB1] =	sst s5  }
0xe: {  	[smem:$0x3FB2] =	sst s6  }
0xf: {  	[smem:$0x3FB3] =	sst s7  }
0x10: {  	[smem:$0x3FB4] =	sst s8  }
0x11: {  	[smem:$0x3FB5] =	sst s9;
	s0 =	simm.s32 @!p0 $0x0  }
0x12: {  	s1 =	sld [smem:$0x3F9B];
	s0 =	simm.s32 @p0 $0x1  }
0x13: {  	[smem:$0x3FB6] =	sst s0;
	s0 =	simm.s32 @!p1 $0x0  }
0x14: {  	s2 =	sld [smem:$0x3F9A];
	s0 =	simm.s32 @p1 $0x1  }
0x15: {  	[smem:$0x3FB7] =	sst s0;
	s0 =	simm.s32 @!p2 $0x0  }
0x16: {  	s3 =	sld [smem:$0x3FDB];
	s0 =	simm.s32 @p2 $0x1  }
0x17: {  	s4 =	simm.s32 $0x1BF5;
	[smem:$0x3FB9] =	sst s0  }
0x18: {  	s0 =	sld [smem:$0x3F9C];
	_ =	swait.ge [sflag:s4], $0x0  }
0x19: {  	s7 =	sld [smem:$0x3F9D]  }
0x1a: {  	s8 =	sadd.s32 $0xFFFFE003, lr  }
0x1b: {  	s9 =	sadd.s32 $0xFFFFFEF7, lr;
	s5 =	simm.s32 $0xFFFFFFFF;
	p2 =	slt.u32 s8, $0xFFFFF086  }
0x1c: {  	p1 =	slt.u32 s9, $0xF7A;
	s5 =	simm.s32 @!p2 $0x0  }
0x1d: {  	s5 =	simm.s32 @p1 $0x1;
	p0 =	seq.s32 s7, s2  }
0x1e: {  	s7 =	smul.u32 @!p0 $0xF7A, s2;
	p2 =	seq.s32 @!p0 s5, $0x0  }
0x1f: {  	s9 =	smul.u32 $0xF7A, s1;
	s8 =	simm.s32 @!p0 $0x1BF5;
	p2 =	por !p2, p0  }
0x20: {  	[sflag:s8] =	ssyncset.s32 @!p0 $0xFFFFF086;
	s6 =	sadd.s32 @!p0 s3, s7;
	s7 =	simm.s32 @!p0 $0x108  }
0x21: {  	s3 =	sadd.s32 s3, s9;
	s6 =	sadd.s32 @!p0 $0x88, s6;
	s7 =	simm.s32 @p2 $0x1082  }
0x22: {  	[simem:s7], [sflag:s8] =	dma.local @!p0 [hbm:s6], $0xF7A  }
0x23: {  	s9 =	sor.u32 $0xD0000000, s2;
	s6 =	simm.s32 $0x108;
	_ =	swait.ge @!p0 [sflag:s8], $0x0  }
0x24: {  	s3 =	sadd.s32 $0x88, s3;
	s6 =	simm.s32 @!p1 $0x1082;
	[sflag:s4] =	ssyncset.s32 $0xFFFFF086  }
0x25: {  	[simem:s6], [sflag:s4] =	dma.local [hbm:s3], $0xF7A  }
0x26: {  	[smem:$0x3F9D] =	sst s1;
	(tag) =	ssettag s2;
	_ =	strace s9  }
0x27: {  	s1 =	sld [smem:$0x3FAD]  }
0x28: {  	s2 =	sld [smem:$0x3FAE]  }
0x29: {  	s4 =	sld [smem:$0x3FB0]  }
0x2a: {  	p0 =	seq.s32 s5, $0x0;
	s5 =	sld [smem:$0x3FB1]  }
0x2b: {  	s6 =	sld [smem:$0x3FB2]  }
0x2c: {  	s7 =	sld [smem:$0x3FB3]  }
0x2d: {  	s3 =	simm.s32 $0x108;
	s8 =	sld [smem:$0x3FB4]  }
0x2e: {  	s3 =	simm.s32 @!p0 $0x1082;
	s9 =	sld [smem:$0x3FB5]  }
0x2f: {  	lr =	sadd.s32 s0, s3;
	s0 =	sld [smem:$0x3FAC]  }
0x30: {  	s3 =	sld [smem:$0x3FAF]  }
0x31: {  	[smem:$0x3FB8] =	sst s10  }
0x32: {  	s10 =	sld [smem:$0x3FB6];
	_ =	sdelay $0x3  }
0x33: {  	p0 =	seq.s32 s10, $0x1;
	s10 =	sld [smem:$0x3FB8];
	_ =	sdelay $0x3  }
0x34: {  	[smem:$0x3FB8] =	sst s10  }
0x35: {  	s10 =	sld [smem:$0x3FB7];
	_ =	sdelay $0x3  }
0x36: {  	p1 =	seq.s32 s10, $0x1;
	s10 =	sld [smem:$0x3FB8];
	_ =	sdelay $0x3  }
0x37: {  	[smem:$0x3FB8] =	sst s10  }
0x38: {  	s10 =	sld [smem:$0x3FB9]  }
0x39: {  	_ = 	snop;
	(pc) =	sbr.ind lr, $3  }
0x3a: {  	_ = 	snop  }
0x3b: {  	_ = 	snop  }
0x3c: {  	p2 =	seq.s32 s10, $0x1;
	s10 =	sld [smem:$0x3FB8]  }
0x3d: {  	_ =	shalt  }
0x3e: {  	_ =	shalt  }
0x3f: {  	_ =	shalt  }
0x40: {  	_ =	shalt  }
0x41: {  	_ =	shalt  }
0x42: {  	_ =	shalt  }
0x43: {  	_ =	shalt  }
0x44: {  	_ =	shalt  }
0x45: {  	_ =	shalt  }
0x46: {  	_ =	shalt  }
0x47: {  	_ =	shalt  }
0x48: {  	_ =	shalt  }
0x49: {  	_ =	shalt  }
0x4a: {  	_ =	shalt  }
0x4b: {  	_ =	shalt  }
0x4c: {  	_ =	shalt  }
0x4d: {  	_ =	shalt  }
0x4e: {  	_ =	shalt  }
0x4f: {  	_ =	shalt  }
0x50: {  	_ =	shalt  }
0x51: {  	_ =	shalt  }
0x52: {  	_ =	shalt  }
0x53: {  	_ =	shalt  }
0x54: {  	_ =	shalt  }
0x55: {  	_ =	shalt  }
0x56: {  	_ =	shalt  }
0x57: {  	_ =	shalt  }
0x58: {  	_ =	shalt  }
0x59: {  	_ =	shalt  }
0x5a: {  	_ =	shalt  }
0x5b: {  	_ =	shalt  }
0x5c: {  	_ =	shalt  }
0x5d: {  	_ =	shalt  }
0x5e: {  	_ =	shalt  }
0x5f: {  	_ =	shalt  }
0x60: {  	_ =	shalt  }
0x61: {  	_ =	shalt  }
0x62: {  	_ =	shalt  }
0x63: {  	_ =	shalt  }
0x64: {  	_ =	shalt  }
0x65: {  	_ =	shalt  }
0x66: {  	_ =	shalt  }
0x67: {  	_ =	shalt  }
0x68: {  	_ =	shalt  }
0x69: {  	_ =	shalt  }
0x6a: {  	_ =	shalt  }
0x6b: {  	_ =	shalt  }
0x6c: {  	_ =	shalt  }
0x6d: {  	_ =	shalt  }
0x6e: {  	_ =	shalt  }
0x6f: {  	_ =	shalt  }
0x70: {  	_ =	shalt  }
0x71: {  	_ =	shalt  }
0x72: {  	_ =	shalt  }
0x73: {  	_ =	shalt  }
0x74: {  	_ =	shalt  }
0x75: {  	_ =	shalt  }
0x76: {  	_ =	shalt  }
0x77: {  	_ =	shalt  }
0x78: {  	_ =	shalt  }
0x79: {  	_ =	shalt  }
0x7a: {  	_ =	shalt  }
0x7b: {  	_ =	shalt  }
0x7c: {  	_ =	shalt  }
0x7d: {  	_ =	shalt  }
0x7e: {  	_ =	shalt  }
0x7f: {  	_ =	shalt  }
0x80: {  	_ =	shalt  }
0x81: {  	_ =	shalt  }
0x82: {  	_ =	shalt  }
0x83: {  	_ =	shalt  }
0x84: {  	_ =	shalt  }
0x85: {  	_ =	shalt  }
0x86: {  	_ =	shalt  }
0x87: {  	_ =	shalt  }
.Lfunc_end0:
.L_simem_size_0:
called_computation.1_lowered:
.L_overlay_start_0:
0x88: {  	s2 =	sld [smem:$0x3FD9]  }
0x89: {  	s3 =	sld [smem:$0x3FFE];
	_ =	sdelay $0x1  }
0x8a: {  	s1 =	srdreg.scid  }
0x8b: {  	s0 =	sand.u32 $0x1, s1  }
0x8c: {  	s17 =	sshll.u32 s0, $0xA;
	s2 =	sadd.s32 s3, s2  }
0x8d: {  	s2 =	sadd.s32 s2, s17  }
0x8e: {  	[smem:$0x3FC4] =	sst s2  }
0x8f: {  	_ = 	snop  }
0x90: {  	s2 =	sld [smem:$0x3FD0];
	(tm) =	ssettm $0x1  }
0x91: {  	s18 =	sld [smem:$0x3FFB];
	_ =	sdelay $0x3  }
0x92: {  	_ =	strace s18  }
0x93: {  	s3 =	sld [smem:$0x3FFC];
	_ =	sdelay $0x3  }
0x94: {  	_ =	strace s3  }
0x95: {  	s3 =	sld [smem:$0x3FFD];
	_ =	sdelay $0x3  }
0x96: {  	_ =	strace s3  }
0x97: {  	_ =	strace $0x8FFFFFFF  }
0x98: {  	s19 =	sld [smem:$0x3FDB];
	_ =	sdelay $0x1  }
0x99: {  	s4 =	simm.s32 $_scs_section_size  }
0x9a: {  	s5 =	simm.s32 $_size__tile_overlayer_lowered;
	s6 =	simm.s32 $_tile_overlayer_lowered  }
0x9b: {  	s22 =	simm.s32 $0x1BFF;
	s21 =	sshll.u32 s6, $0x1;
	s3 =	sadd.s32 s4, s19  }
0x9c: {  	s7 =	simm.s32 $0x0;
	s20 =	sshll.u32 s5, $0x1;
	s5 =	sadd.s32 s21, s3  }
0x9d: {  	[timem:s7], [sflag:s22] =	dma.local [hbm:s5], s20  }
0x9e: {  	_ =	swait.ge [sflag:s22], s20  }
0x9f: {  	s4 =	ssub.s32 $0x0, s20;
	[sflag:s22] =	ssyncset.done $0x0  }
0xa0: {  	[sflag:s22] =	ssyncadd.s32 s4;
	_ =	sdelay $0x1  }
0xa1: {  	s23 =	simm.s32 $0x1B8B  }
0xa2: {  	_ =	swait.ge [sflag:s23], $0x1  }
0xa3: {  	[sflag:s23] =	ssyncset.done $0x0  }
0xa4: {  	s25 =	simm.s32 $0x1B8E;
	s24 =	sld [smem:$0x3FFE];
	[sflag:s23] =	ssyncadd.s32 $0xFFFFFFFF  }
0xa5: {  	s26 =	simm.s32 $execute0_lowered;
	[smem:$0x3FD2] =	sst s25  }
0xa6: {  	s5 =	sshll.u32 s26, $0x1;
	_ =	strace $0x80000049;
	[dreg:$0x1] =	wrdreg $0xFFFFFFFF  }
0xa7: {  	s28 =	simm.s32 $_size_execute0_lowered;
	s3 =	sadd.s32 s3, s5;
	[dreg:$0x0] =	wrdreg $0x0  }
0xa8: {  	s5 =	sshll.u32 s28, $0x1;
	[dreg:$0x2] =	wrdreg s3  }
0xa9: {  	[dreg:$0x3] =	wrdreg s5  }
0xaa: {  	[dreg:$0x4] =	wrdreg $0xC0  }
0xab: {  	_ =	task [dreg:s7], $0x5FFFF  }
0xac: {  	[dreg:$0x1] =	wrdreg $0xFFFFFFFF  }
0xad: {  	[dreg:$0x0] =	wrdreg $0x60  }
0xae: {  	[dreg:$0x2] =	wrdreg s24  }
0xaf: {  	[dreg:$0x3] =	wrdreg s2  }
0xb0: {  	[dreg:$0x4] =	wrdreg $0x9  }
0xb1: {  	_ =	task.clear_ibuf [dreg:s7], $0x5FFFF;
	_ =	strace $0x90000049  }
0xb2: {  	s29 =	simm.s32 $0x9;
	_ =	strace $0x8000004B  }
0xb3: {  	_ =	swait.ge [sflag:s29], $0x1  }
0xb4: {  	[sflag:s29] =	ssyncadd.s32 $0xFFFFFFFF  }
0xb5: {  	_ =	strace $0x9000004B  }
0xb6: {  	_ =	sfence  }
0xb7: {  	s30 =	sld [smem:$0x0];
	_ =	sdelay $0x2  }
0xb8: {  	s31 =	sshll.u32 s1, $0xD;
	s1 =	sshrl.u32 s1, $0x2  }
0xb9: {  	s3 =	sand.u32 $0x4000, s31;
	s1 =	sadd.s32 s1, s30  }
0xba: {  	s0 =	sor.u32 s3, s0;
	s1 =	sshll.u32 s1, $0x11  }
0xbb: {  	s0 =	sor.u32 s1, s0  }
0xbc: {  	s0 =	sadd.s32 $0x8F2B, s0  }
0xbd: {  	[sflag:s0] =	ssyncadd.remote.s32 $0x1  }
0xbe: {  	_ =	sfence.sel $0xFFFF  }
0xbf: {  	[dreg:$0x0] =	wrdreg $0xFFFFFFFF;
	(pc) =	sbr.abs _section_cstart, $3  }
0xc0: {  	[dreg:$0x1] =	wrdreg $0xFFFFFFFF  }
0xc1: {  	_ =	task.clear_ibuf [dreg:s7], $0x2FFFF;
	_ =	strace $0x9FFFFFFF  }
0xc2: {  	(tm) =	ssettm $0x7FFFFFFF  }
0xc3: {  	_ =	shalt  }
tec
execute0_lowered:
.L_overlay_start_1:
0x0: {  	(tag) =	ssettag $0x1  }
0x1: {  	s1 =	srdreg.scid;
	s6 =	rddreg [dreg:$0x0]  }
0x2: {  	s0 =	stileid.u32;
	s3 =	rddreg [dreg:$0x1];
	s2 =	simm.s32 $0x0  }
0x3: {  	s18 =	simm.s32 $0x880;
	s19 =	simm.s32 $0x1080;
	s20 =	simm.s32 $0x1880  }
0x4: {  	s22 =	simm.s32 $0x2080;
	s23 =	simm.s32 $0x2880;
	s7 =	simm.s32 $0x3080  }
0x5: {  	s24 =	simm.s32 $0x3880;
	s8 =	simm.s32 $0x4080;
	[smem:$0x7FF] =	sst s2  }
0x6: {  	s25 =	simm.s32 $0x4880;
	_ =	strace $0x8000004A;
	[dreg:$0x5] =	wrdreg s18  }
0x7: {  	s26 =	simm.s32 $0x5080;
	s9 =	simm.s32 $0x80;
	[dreg:$0x6] =	wrdreg s19  }
0x8: {  	s11 =	simm.s32 $0x6080;
	s12 =	simm.s32 $0x6880;
	[dreg:$0x7] =	wrdreg s20  }
0x9: {  	s13 =	simm.s32 $0x7080;
	s14 =	simm.s32 $0x7880;
	[dreg:$0x8] =	wrdreg s22  }
0xa: {  	s15 =	simm.s32 $0x8080;
	s16 =	simm.s32 $0x8880;
	[dreg:$0x9] =	wrdreg s23  }
0xb: {  	s17 =	simm.s32 $0x9080;
	s28 =	simm.s32 $0xE080;
	[dreg:$0xa] =	wrdreg s7  }
0xc: {  	s29 =	simm.s32 $0xE880;
	s30 =	simm.s32 $0xF080;
	[dreg:$0xb] =	wrdreg s24  }
0xd: {  	s31 =	simm.s32 $0xF880;
	s1 =	sand.u32 $0x1, s1;
	[dreg:$0xc] =	wrdreg s8  }
0xe: {  	s4 =	sshll.u32 s0, $0x7;
	s5 =	sshll.u32 s1, $0x6;
	[dreg:$0xd] =	wrdreg s25  }
0xf: {  	s1 =	ssub.s32 $0x2, s1;
	s8 =	simm.s32 $0x2;
	[dreg:$0xe] =	wrdreg s26  }
0x10: {  	s18 =	simm.s32 $0x9880;
	s19 =	simm.s32 $0xA080;
	s20 =	simm.s32 $0xA880  }
0x11: {  	s22 =	simm.s32 $0xB880;
	s23 =	simm.s32 $0xC080;
	s24 =	simm.s32 $0xC880  }
0x12: {  	s25 =	simm.s32 $0xD080;
	s26 =	simm.s32 $0xD880;
	s4 =	sor.u32 s5, s4  }
0x13: {  	s21 =	sshrl.u32 s1, $0x1;
	s5 =	sshrl.u32 s4, $0x3;
	s4 =	sshll.u32 s4, $0x7  }
0x14: {  	s1 =	ssub.s32 s1, s21;
	s21 =	simm.s32 $0xB080;
	s5 =	sadd.s32 s6, s5  }
0x15: {  	v2 =	vlaneseq.u32;
	s3 =	sadd.s32 s3, s4;
	s4 =	sadd.s32 $0x300, s6;
	[dreg:$0x3] =	wrdreg s5  }
0x16: {  	vm0 =	vmmov $0xffff;
	v1 =	vshrl.u32 v2, $0x3;
	s7 =	smax.u32 s1, $0x1;
	s1 =	simm.s32 $0x1;
	[dreg:$0x4] =	wrdreg s3  }
0x17: {  	v0 =	vand.u32 $0x7, v2;
	v2 =	vor.u32 $0x8, v2;
	v1 =	vmul.u32 $0x8, v1;
	s3 =	sadd.s32 $0x200, s6;
	s5 =	sadd.s32 $0x400, s6;
	s6 =	sadd.s32 $0x500, s6  }
.LBB2_1:
0x18: {  	s0 =	rddreg [dreg:$0x3]  }
0x19: {  	[tilespmem:s2], [sflag:$0x2] =	stream.linear.gather [hbm4b:s0+s2], $0x40, $0x38;
	[tilespmem:$0x10080] =	vst v63  }
0x1a: {  	_ =	swait.ge [sflag:s8], $0x40  }
0x1b: {  	[sflag:s8] =	ssyncset.done $0x0  }
0x1c: {  	[sflag:s8] =	ssyncadd.s32 $0xFFFFFFC0  }
0x1d: {  	v3 =	vld [tilespmem:$0x0];
	_ =	sdelay $0x4  }
0x1e: {  	v4 =	vshll.u32 v3, $0x3  }
0x1f: {  	v3 =	vand.u32 $0x7, v3;
	v4 =	vand.u32 $0xFFFFFFC0, v4  }
0x20: {  	v3 =	vor.u32 v3, v4  }
0x21: {  	v4 =	vperm.xlane v3, v0;
	_ =	sdelay $0x1  }
0x22: {  	v4 =	vadd.s32 v1, v4;
	_ =	sdelay $0x4  }
0x23: {  	[tilespmem:s9], [sflag:$0x1] =	stream.indirect_vreg.gather [hbm4b:s3+s2], $0x80, v4, vm0, $0xb8;
	[tilespmem:$0x10080] =	vst v63  }
0x24: {  	s0 =	rddreg [dreg:$0x5];
	v3 =	vperm.xlane v3, v2  }
0x25: {  	[tilespmem:s0], [sflag:$0x1] =	stream.indirect_vreg.gather [hbm4b:s4+s2], $0x80, v4, vm0, $0xb8;
	[tilespmem:$0x10080] =	vst v63  }
0x26: {  	s10 =	rddreg [dreg:$0x6];
	v3 =	vadd.s32 v1, v3  }
0x27: {  	[tilespmem:s10], [sflag:$0x1] =	stream.indirect_vreg.gather [hbm4b:s5+s2], $0x80, v4, vm0, $0xb8;
	[tilespmem:$0x10080] =	vst v63  }
0x28: {  	s0 =	rddreg [dreg:$0x7]  }
0x29: {  	[tilespmem:s0], [sflag:$0x1] =	stream.indirect_vreg.gather [hbm4b:s6+s2], $0x80, v4, vm0, $0xb8;
	[tilespmem:$0x10080] =	vst v63  }
0x2a: {  	s10 =	rddreg [dreg:$0x8]  }
0x2b: {  	[tilespmem:s10], [sflag:$0x1] =	stream.indirect_vreg.gather [hbm4b:s3+s2], $0x80, v3, vm0, $0xb8;
	[tilespmem:$0x10080] =	vst v63  }
0x2c: {  	s0 =	rddreg [dreg:$0x9]  }
0x2d: {  	[tilespmem:s0], [sflag:$0x1] =	stream.indirect_vreg.gather [hbm4b:s4+s2], $0x80, v3, vm0, $0xb8;
	[tilespmem:$0x10080] =	vst v63  }
0x2e: {  	s10 =	rddreg [dreg:$0xa]  }
0x2f: {  	[tilespmem:s10], [sflag:$0x1] =	stream.indirect_vreg.gather [hbm4b:s5+s2], $0x80, v3, vm0, $0xb8;
	[tilespmem:$0x10080] =	vst v63  }
0x30: {  	s0 =	rddreg [dreg:$0xb]  }
0x31: {  	[tilespmem:s0], [sflag:$0x1] =	stream.indirect_vreg.gather [hbm4b:s6+s2], $0x80, v3, vm0, $0xb8;
	[tilespmem:$0x10080] =	vst v63  }
0x32: {  	v3 =	vld [tilespmem:$0x10];
	_ =	sdelay $0x4  }
0x33: {  	v61 =	vshll.u32 v3, $0x3  }
0x34: {  	v3 =	vand.u32 $0x7, v3;
	v4 =	vand.u32 $0xFFFFFFC0, v61  }
0x35: {  	v3 =	vor.u32 v3, v4  }
0x36: {  	v4 =	vperm.xlane v3, v0;
	_ =	sdelay $0x1  }
0x37: {  	v4 =	vadd.s32 v1, v4;
	_ =	sdelay $0x3  }
0x38: {  	s0 =	rddreg [dreg:$0xc]  }
0x39: {  	[tilespmem:s0], [sflag:$0x1] =	stream.indirect_vreg.gather [hbm4b:s3+s2], $0x80, v4, vm0, $0xb8;
	[tilespmem:$0x10080] =	vst v63  }
0x3a: {  	s10 =	rddreg [dreg:$0xd];
	v3 =	vperm.xlane v3, v2  }
0x3b: {  	[tilespmem:s10], [sflag:$0x1] =	stream.indirect_vreg.gather [hbm4b:s4+s2], $0x80, v4, vm0, $0xb8;
	[tilespmem:$0x10080] =	vst v63  }
0x3c: {  	v3 =	vadd.s32 v1, v3;
	s0 =	rddreg [dreg:$0xe]  }
0x3d: {  	[tilespmem:s0], [sflag:$0x1] =	stream.indirect_vreg.gather [hbm4b:s5+s2], $0x80, v4, vm0, $0xb8;
	[tilespmem:$0x10080] =	vst v63  }
0x3e: {  	s10 =	simm.s32 $0x5880  }
0x3f: {  	[tilespmem:s10], [sflag:$0x1] =	stream.indirect_vreg.gather [hbm4b:s6+s2], $0x80, v4, vm0, $0xb8;
	[tilespmem:$0x10080] =	vst v63  }
0x40: {  	_ = 	snop  }
0x41: {  	[tilespmem:s11], [sflag:$0x1] =	stream.indirect_vreg.gather [hbm4b:s3+s2], $0x80, v3, vm0, $0xb8;
	[tilespmem:$0x10080] =	vst v63  }
0x42: {  	_ = 	snop  }
0x43: {  	[tilespmem:s12], [sflag:$0x1] =	stream.indirect_vreg.gather [hbm4b:s4+s2], $0x80, v3, vm0, $0xb8;
	[tilespmem:$0x10080] =	vst v63  }
0x44: {  	_ = 	snop  }
0x45: {  	[tilespmem:s13], [sflag:$0x1] =	stream.indirect_vreg.gather [hbm4b:s5+s2], $0x80, v3, vm0, $0xb8;
	[tilespmem:$0x10080] =	vst v63  }
0x46: {  	_ = 	snop  }
0x47: {  	[tilespmem:s14], [sflag:$0x1] =	stream.indirect_vreg.gather [hbm4b:s6+s2], $0x80, v3, vm0, $0xb8;
	[tilespmem:$0x10080] =	vst v63  }
0x48: {  	v3 =	vld [tilespmem:$0x20];
	_ =	sdelay $0x4  }
0x49: {  	v62 =	vshll.u32 v3, $0x3  }
0x4a: {  	v3 =	vand.u32 $0x7, v3;
	v4 =	vand.u32 $0xFFFFFFC0, v62  }
0x4b: {  	v3 =	vor.u32 v3, v4  }
0x4c: {  	v4 =	vperm.xlane v3, v0;
	_ =	sdelay $0x1  }
0x4d: {  	v4 =	vadd.s32 v1, v4;
	_ =	sdelay $0x4  }
0x4e: {  	[tilespmem:s15], [sflag:$0x1] =	stream.indirect_vreg.gather [hbm4b:s3+s2], $0x80, v4, vm0, $0xb8;
	[tilespmem:$0x10080] =	vst v63  }
0x4f: {  	v3 =	vperm.xlane v3, v2  }
0x50: {  	[tilespmem:s16], [sflag:$0x1] =	stream.indirect_vreg.gather [hbm4b:s4+s2], $0x80, v4, vm0, $0xb8;
	[tilespmem:$0x10080] =	vst v63  }
0x51: {  	v3 =	vadd.s32 v1, v3  }
0x52: {  	[tilespmem:s17], [sflag:$0x1] =	stream.indirect_vreg.gather [hbm4b:s5+s2], $0x80, v4, vm0, $0xb8;
	[tilespmem:$0x10080] =	vst v63  }
0x53: {  	_ = 	snop  }
0x54: {  	[tilespmem:s18], [sflag:$0x1] =	stream.indirect_vreg.gather [hbm4b:s6+s2], $0x80, v4, vm0, $0xb8;
	[tilespmem:$0x10080] =	vst v63  }
0x55: {  	_ = 	snop  }
0x56: {  	[tilespmem:s19], [sflag:$0x1] =	stream.indirect_vreg.gather [hbm4b:s3+s2], $0x80, v3, vm0, $0xb8;
	[tilespmem:$0x10080] =	vst v63  }
0x57: {  	_ = 	snop  }
0x58: {  	[tilespmem:s20], [sflag:$0x1] =	stream.indirect_vreg.gather [hbm4b:s4+s2], $0x80, v3, vm0, $0xb8;
	[tilespmem:$0x10080] =	vst v63  }
0x59: {  	_ = 	snop  }
0x5a: {  	[tilespmem:s21], [sflag:$0x1] =	stream.indirect_vreg.gather [hbm4b:s5+s2], $0x80, v3, vm0, $0xb8;
	[tilespmem:$0x10080] =	vst v63  }
0x5b: {  	_ = 	snop  }
0x5c: {  	[tilespmem:s22], [sflag:$0x1] =	stream.indirect_vreg.gather [hbm4b:s6+s2], $0x80, v3, vm0, $0xb8;
	[tilespmem:$0x10080] =	vst v63  }
0x5d: {  	v3 =	vld [tilespmem:$0x30];
	_ =	sdelay $0x4  }
0x5e: {  	v63 =	vshll.u32 v3, $0x3  }
0x5f: {  	v3 =	vand.u32 $0x7, v3;
	v4 =	vand.u32 $0xFFFFFFC0, v63  }
0x60: {  	v3 =	vor.u32 v3, v4  }
0x61: {  	v4 =	vperm.xlane v3, v0;
	_ =	sdelay $0x1  }
0x62: {  	v4 =	vadd.s32 v1, v4;
	_ =	sdelay $0x4  }
0x63: {  	[tilespmem:s23], [sflag:$0x1] =	stream.indirect_vreg.gather [hbm4b:s3+s2], $0x80, v4, vm0, $0xb8;
	[tilespmem:$0x10080] =	vst v63  }
0x64: {  	v3 =	vperm.xlane v3, v2  }
0x65: {  	[tilespmem:s24], [sflag:$0x1] =	stream.indirect_vreg.gather [hbm4b:s4+s2], $0x80, v4, vm0, $0xb8;
	[tilespmem:$0x10080] =	vst v63  }
0x66: {  	v3 =	vadd.s32 v1, v3  }
0x67: {  	[tilespmem:s25], [sflag:$0x1] =	stream.indirect_vreg.gather [hbm4b:s5+s2], $0x80, v4, vm0, $0xb8;
	[tilespmem:$0x10080] =	vst v63  }
0x68: {  	_ = 	snop  }
0x69: {  	[tilespmem:s26], [sflag:$0x1] =	stream.indirect_vreg.gather [hbm4b:s6+s2], $0x80, v4, vm0, $0xb8;
	[tilespmem:$0x10080] =	vst v63  }
0x6a: {  	_ = 	snop  }
0x6b: {  	[tilespmem:s28], [sflag:$0x1] =	stream.indirect_vreg.gather [hbm4b:s3+s2], $0x80, v3, vm0, $0xb8;
	[tilespmem:$0x10080] =	vst v63  }
0x6c: {  	_ = 	snop  }
0x6d: {  	[tilespmem:s29], [sflag:$0x1] =	stream.indirect_vreg.gather [hbm4b:s4+s2], $0x80, v3, vm0, $0xb8;
	[tilespmem:$0x10080] =	vst v63  }
0x6e: {  	_ = 	snop  }
0x6f: {  	[tilespmem:s30], [sflag:$0x1] =	stream.indirect_vreg.gather [hbm4b:s5+s2], $0x80, v3, vm0, $0xb8;
	[tilespmem:$0x10080] =	vst v63  }
0x70: {  	_ = 	snop  }
0x71: {  	[tilespmem:s31], [sflag:$0x1] =	stream.indirect_vreg.gather [hbm4b:s6+s2], $0x80, v3, vm0, $0xb8;
	[tilespmem:$0x10080] =	vst v63  }
0x72: {  	_ =	swait.ge [sflag:s1], $0x10000  }
0x73: {  	p0 =	sne.s32 s7, $0x1;
	[sflag:s1] =	ssyncset.done $0x0  }
.Ltmp0:
0x74: {  	s10 =	rddreg [dreg:$0x4];
	[sflag:s1] =	ssyncadd.s32 $0xFFFF0000;
	(pc) =	sbr.rel @p0 .LBB2_1-.Ltmp0, $4  }
0x75: {  	[hbm4b:s10+s2] =	stream.linear.scatter [tilespmem:s9], [sflag:$0x2], $0x10000, $0x38;
	[tilespmem:$0x10080] =	vst v63  }
0x76: {  	_ =	swait.ge [sflag:s8], $0x10000  }
0x77: {  	[sflag:s8] =	ssyncset.done $0x0  }
0x78: {  	s7 =	sadd.s32 $0xFFFFFFFF, s7;
	[sflag:s8] =	ssyncadd.s32 $0xFFFF0000  }
0x79: {  	_ =	sfence.sel $0x180000  }
0x7a: {  	[bflag:$0x0] =	sbarrier.arrive $0xFFFF  }
0x7b: {  	_ =	strace $0x9000004A  }
0x7c: {  	s0 =	stileid.u32;
	[bflag:$0x2] =	sbarrier.arrive $0xFFFF  }
0x7d: {  	p0 =	sne.s32 s0, $0x0;
	s0 =	rddreg [dreg:$0x2]  }
0x7e: {  	s0 =	sadd.s32 @!p0 $0x100000, s0  }
0x7f: {  	[sflag:s0] =	ssyncadd.tile.s32 @!p0 $0x1;
	_ =	shalt  }
.Lfunc_end2:
_tile_overlayer_lowered:
.L_overlay_start_2:
0x80: {  	(tag) =	ssettag $0x2  }
0x81: {  	s0 =	rddreg [dreg:$0x0];
	s2 =	stileid.u32  }
0x82: {  	s1 =	rddreg [dreg:$0x1];
	p0 =	sne.s32 s2, $0x0  }
0x83: {  	s3 =	rddreg [dreg:$0x2];
	[bflag:$0x3] =	sbarrier.arrive $0xFFFF;
	s2 =	simm.s32 @!p0 $0x1C02  }
0x84: {  	[timem:s3], [sflag:s2] =	dma.local @!p0 [hbm:s0], s1  }
0x85: {  	s0 =	simm.s32 @!p0 $0x2  }
0x86: {  	_ =	swait.ge @!p0 [sflag:s0], s1  }
0x87: {  	s1 =	ssub.s32 @!p0 $0x0, s1;
	[sflag:s0] =	ssyncset.done @!p0 $0x0  }
0x88: {  	[sflag:s0] =	ssyncadd.s32 @!p0 s1  }
0x89: {  	[bflag:$0x3] =	sbarrier.arrive $0xFFFF  }
0x8a: {  	_ =	shalt  }

</sc_bundles>
